<compile_context>
chip_gen: v7x
topology: tpu7x:2x2x1
jax: 0.10.2.dev20260603
libtpu: 0.0.44.dev20260713+nightly
codegen_flags: <defaults>
</compile_context>

<pallas_src>
import functools

import jax
import jax.numpy as jnp
from jax import lax
from jax.experimental import pallas as pl
from jax.experimental.pallas import tpu as pltpu
from jax.experimental.pallas import tpu_sc as plsc

N = 10000
NP = 10240
E = 320000
D = 128
NC = 2
NS = 16
NW = NC * NS
EPW = E // NW
CHD = 80
NCHD = EPW // CHD
CH = 80
NCH = EPW // CH
RPT = NP // NS

_mesh = plsc.VectorSubcoreMesh(core_axis_name="c", subcore_axis_name="s")



@functools.partial(
    pl.kernel,
    out_type=jax.ShapeDtypeStruct((2 * NC, 1, N), jnp.float32),
    mesh=_mesh,
    scratch_types=[
        pltpu.VMEM((CHD,), jnp.float32),
        pltpu.VMEM((NCHD, CHD), jnp.int32),
        pltpu.VMEM((NCHD, CHD), jnp.int32),
        pltpu.VMEM_SHARED((N,), jnp.float32),
        pltpu.VMEM_SHARED((N,), jnp.float32),
        pltpu.SemaphoreType.DMA,
        pltpu.SemaphoreType.DMA,
        pltpu.SemaphoreType.DMA,
    ],
)
def _sc_degrees(src3_hbm, dst3_hbm, zn_hbm, out_hbm,
                ones_v, sidx_all, didx_all, ds_sp, dd_sp,
                sem_s, sem_d, sem_z):
    c = lax.axis_index("c")
    s = lax.axis_index("s")
    wid = s * NC + c
    pltpu.async_copy(src3_hbm.at[pl.ds(wid * NCHD, NCHD), 0],
                     sidx_all, sem_s)
    pltpu.async_copy(dst3_hbm.at[pl.ds(wid * NCHD, NCHD), 0],
                     didx_all, sem_d)

    @pl.when(s == 0)
    def _():
        pltpu.async_copy(zn_hbm, ds_sp, sem_z)

    @pl.when(s == 1)
    def _():
        pltpu.async_copy(zn_hbm, dd_sp, sem_z)

    for i in range(CHD // 16):
        ones_v[pl.ds(i * 16, 16)] = jnp.ones((16,), jnp.float32)
    pltpu.make_async_copy(src3_hbm.at[pl.ds(wid * NCHD, NCHD), 0],
                          sidx_all, sem_s).wait()
    pltpu.make_async_copy(dst3_hbm.at[pl.ds(wid * NCHD, NCHD), 0],
                          didx_all, sem_d).wait()

    @pl.when(s == 0)
    def _():
        pltpu.make_async_copy(zn_hbm, ds_sp, sem_z).wait()

    @pl.when(s == 1)
    def _():
        pltpu.make_async_copy(zn_hbm, dd_sp, sem_z).wait()

    plsc.subcore_barrier()

    K = 4

    def fire(j):
        pltpu.async_copy(ones_v, ds_sp.at[sidx_all.at[j]], sem_s, add=True)
        pltpu.async_copy(ones_v, dd_sp.at[didx_all.at[j]], sem_d, add=True)

    def drain(j):
        pltpu.make_async_copy(ones_v, ds_sp.at[sidx_all.at[j]], sem_s).wait()
        pltpu.make_async_copy(ones_v, dd_sp.at[didx_all.at[j]], sem_d).wait()

    for j in range(K):
        fire(j)

    def chunk(j, carry):
        drain(j)
        fire(j + K)
        return carry

    lax.fori_loop(0, NCHD - K, chunk, 0)
    for i in range(K):
        drain(NCHD - K + i)
    plsc.subcore_barrier()

    @pl.when(s == 0)
    def _():
        pltpu.sync_copy(ds_sp, out_hbm.at[2 * c, 0])

    @pl.when(s == 1)
    def _():
        pltpu.sync_copy(dd_sp, out_hbm.at[2 * c + 1, 0])


@functools.partial(
    pl.kernel,
    out_type=jax.ShapeDtypeStruct((NC, NP, D), jnp.float32),
    mesh=_mesh,
    scratch_types=[
        pltpu.VMEM((EPW,), jnp.int32),
        pltpu.VMEM((NCH, CH), jnp.int32),
        pltpu.VMEM((CH, D), jnp.float32),
        pltpu.VMEM((CH, D), jnp.float32),
        pltpu.VMEM_SHARED((NP, D), jnp.float32),
        pltpu.SemaphoreType.DMA,
        pltpu.SemaphoreType.DMA,
        pltpu.SemaphoreType.DMA,
        pltpu.SemaphoreType.DMA,
        pltpu.SemaphoreType.DMA,
        pltpu.SemaphoreType.DMA,
        pltpu.SemaphoreType.DMA,
    ],
)
def _sc_aggregate(tab_hbm, src_hbm, dst3_hbm, ztab_hbm, out_hbm,
                  sidx_all, didx_all, rows_a, rows_b, acc_sp,
                  sem_a, sem_b, sem_c, sem_d, sem_z, sem_si, sem_di):
    c = lax.axis_index("c")
    s = lax.axis_index("s")
    wid = s * NC + c
    pltpu.async_copy(ztab_hbm.at[pl.ds(s * RPT, RPT)],
                     acc_sp.at[pl.ds(s * RPT, RPT)], sem_z)
    pltpu.async_copy(src_hbm.at[pl.ds(wid * EPW, EPW)], sidx_all, sem_si)
    pltpu.async_copy(dst3_hbm.at[pl.ds(wid * NCH, NCH), 0], didx_all, sem_di)

    def sidx(j):
        return sidx_all.at[pl.ds(j * CH, CH)]

    H = CH // 2

    def sidxh(j, k):
        return sidx_all.at[pl.ds(j * CH + k * H, H)]

    def fire(j, buf, s1, s2):
        pltpu.async_copy(tab_hbm.at[sidxh(j, 0)], buf.at[pl.ds(0, H)], s1)
        pltpu.async_copy(tab_hbm.at[sidxh(j, 1)], buf.at[pl.ds(H, H)], s2)

    def wait(buf, s1, s2):
        pltpu.make_async_copy(tab_hbm.at[sidxh(0, 0)],
                              buf.at[pl.ds(0, H)], s1).wait()
        pltpu.make_async_copy(tab_hbm.at[sidxh(0, 0)],
                              buf.at[pl.ds(H, H)], s2).wait()

    pltpu.make_async_copy(src_hbm.at[pl.ds(wid * EPW, EPW)],
                          sidx_all, sem_si).wait()
    fire(0, rows_a, sem_a, sem_c)
    fire(1, rows_b, sem_b, sem_d)
    pltpu.make_async_copy(dst3_hbm.at[pl.ds(wid * NCH, NCH), 0],
                          didx_all, sem_di).wait()
    pltpu.make_async_copy(ztab_hbm.at[pl.ds(s * RPT, RPT)],
                          acc_sp.at[pl.ds(s * RPT, RPT)], sem_z).wait()
    plsc.subcore_barrier()

    def rnd(r, carry):
        j = r * 2
        wait(rows_a, sem_a, sem_c)
        pltpu.sync_copy(rows_a, acc_sp.at[didx_all.at[j]], add=True)
        fire(j + 2, rows_a, sem_a, sem_c)
        wait(rows_b, sem_b, sem_d)
        pltpu.sync_copy(rows_b, acc_sp.at[didx_all.at[j + 1]], add=True)
        fire(j + 3, rows_b, sem_b, sem_d)
        return carry

    lax.fori_loop(0, (NCH - 3) // 2, rnd, 0)
    wait(rows_a, sem_a, sem_c)
    pltpu.sync_copy(rows_a, acc_sp.at[didx_all.at[NCH - 3]], add=True)
    fire(NCH - 1, rows_a, sem_a, sem_c)
    wait(rows_b, sem_b, sem_d)
    pltpu.sync_copy(rows_b, acc_sp.at[didx_all.at[NCH - 2]], add=True)
    wait(rows_a, sem_a, sem_c)
    pltpu.sync_copy(rows_a, acc_sp.at[didx_all.at[NCH - 1]], add=True)
    plsc.subcore_barrier()
    pltpu.sync_copy(acc_sp.at[pl.ds(s * RPT, RPT)],
                    out_hbm.at[c, pl.ds(s * RPT, RPT)])



def _norm_col(degp_ref, k):
    deg = degp_ref[k, :, :] + degp_ref[k + 2, :, :]
    n_row = lax.rsqrt(jnp.clip(deg, 1.0, None))
    return jnp.reshape(n_row, (N, 1))


def _tc_mm1_body(h_ref, degp_ref, w_ref, o_ref):
    ns = _norm_col(degp_ref, 0)
    o_ref[...] = jnp.dot(h_ref[...] * ns, w_ref[...],
                         preferred_element_type=jnp.float32)


def _tc_mm2_body(agg_ref, degp_ref, b_ref, w_ref, o_ref):
    ns = _norm_col(degp_ref, 0)
    nd = _norm_col(degp_ref, 1)
    x = (agg_ref[0, :N, :] + agg_ref[1, :N, :]) * nd + b_ref[...]
    o_ref[...] = jnp.dot(x * ns, w_ref[...],
                         preferred_element_type=jnp.float32)


def _tc_fin_body(agg_ref, degp_ref, b_ref, o_ref):
    nd = _norm_col(degp_ref, 1)
    o_ref[...] = (agg_ref[0, :N, :] + agg_ref[1, :N, :]) * nd + b_ref[...]


_tc_mm1 = pl.pallas_call(
    _tc_mm1_body, out_shape=jax.ShapeDtypeStruct((N, D), jnp.float32))
_tc_mm2 = pl.pallas_call(
    _tc_mm2_body, out_shape=jax.ShapeDtypeStruct((N, D), jnp.float32))
_tc_fin = pl.pallas_call(
    _tc_fin_body, out_shape=jax.ShapeDtypeStruct((N, D), jnp.float32))



def kernel(feat, edge_index, W1, b1, W2, b2):
    h = jnp.squeeze(feat, axis=0)
    src = edge_index[0].astype(jnp.int32)
    dst = edge_index[1].astype(jnp.int32)
    src3d = src.reshape(E // CHD, 1, CHD)
    dst3d = dst.reshape(E // CHD, 1, CHD)
    dst3 = dst.reshape(NW * NCH, 1, CH)
    zn = jnp.zeros((N,), jnp.float32)
    ztab = jnp.zeros((NP, D), jnp.float32)

    degp = _sc_degrees(src3d, dst3d, zn)

    h1 = _tc_mm1(h, degp, W1)
    a1 = _sc_aggregate(h1, src, dst3, ztab)
    h2 = _tc_mm2(a1, degp, b1.reshape(1, D), W2)
    a2 = _sc_aggregate(h2, src, dst3, ztab)
    return _tc_fin(a2, degp, b2.reshape(1, D))

# --- scband reference (transcript-rebuilt; emitter-appended) ---
"""Pipeline reference for scband-gcn-dgl-19026705121765 (READ-ONLY COPY).

The authoritative reference and input builder live on the scoring server;
editing this copy changes nothing except your own understanding.
"""

import jax, jax.numpy as jnp
import numpy as np

N_NODES = 10000
N_EDGES = 320000
D_IN = 128
D_H = 128
N_LAYERS = 2


def _gcn_conv(h, src, dst, W, b):
    # DGL GraphConv with norm='both', activation=None
    ones = jnp.ones((src.shape[0],), dtype=h.dtype)
    deg_out = jax.ops.segment_sum(ones, src, num_segments=N_NODES)
    deg_in = jax.ops.segment_sum(ones, dst, num_segments=N_NODES)
    norm_src = jax.lax.rsqrt(jnp.clip(deg_out, 1.0, None))
    norm_dst = jax.lax.rsqrt(jnp.clip(deg_in, 1.0, None))
    h = h * norm_src[:, None]
    h = h @ W
    msg = jnp.take(h, src, axis=0)
    agg = jnp.zeros((N_NODES, W.shape[1]), dtype=h.dtype).at[dst].add(msg)
    agg = agg * norm_dst[:, None]
    return agg + b


def setup_inputs(seed: int = 0) -> dict:
    key = jax.random.key(seed)
    k0, k1, k2, k3, k4, k5 = jax.random.split(key, 6)
    feat = jax.random.normal(k0, (1, N_NODES, D_IN), dtype=jnp.float32)
    edge_index = jax.random.randint(k1, (2, N_EDGES), 0, N_NODES)
    W1 = jax.random.normal(k2, (D_IN, D_H), dtype=jnp.float32) * (1.0 / np.sqrt(D_IN))
    b1 = jnp.zeros((D_H,), dtype=jnp.float32)
    W2 = jax.random.normal(k3, (D_H, D_H), dtype=jnp.float32) * (1.0 / np.sqrt(D_H))
    b2 = jnp.zeros((D_H,), dtype=jnp.float32)
    return {"feat": feat, "edge_index": edge_index, "W1": W1, "b1": b1, "W2": W2, "b2": b2}


def reference(feat, edge_index, W1, b1, W2, b2):
    src = edge_index[0]
    dst = edge_index[1]
    h = jnp.squeeze(feat, axis=0)
    h = _gcn_conv(h, src, dst, W1, b1)
    h = _gcn_conv(h, src, dst, W2, b2)
    return h

if __name__ == "__main__":
    import jax
    _d = setup_inputs()
    print(jax.jit(kernel)(*tuple(_d.values())))

</pallas_src>

<mosaic_0001>
#map = affine_map<(d0, d1) -> (0, 0)>
#map1 = affine_map<(d0, d1) -> (0)>
#map2 = affine_map<(d0, d1) -> (0, 0, 0)>
module attributes {stable_mosaic.version = 14 : i64} {
  func.func @_sc_aggregate(%arg0: i32, %arg1: i32, %arg2: memref<10000x128xf32, #tpu.memory_space<hbm>>, %arg3: memref<320000xi32, #tpu.memory_space<hbm>>, %arg4: memref<4000x1x80xi32, #tpu.memory_space<hbm>>, %arg5: memref<10240x128xf32, #tpu.memory_space<hbm>>, %arg6: memref<2x10240x128xf32, #tpu.memory_space<hbm>>, %arg7: memref<10000xi32, #tpu.memory_space<vmem>>, %arg8: memref<125x80xi32, #tpu.memory_space<vmem>>, %arg9: memref<80x128xf32, #tpu.memory_space<vmem>>, %arg10: memref<80x128xf32, #tpu.memory_space<vmem>>, %arg11: memref<10240x128xf32, #tpu.memory_space<vmem_shared>>, %arg12: memref<!tpu.dma_semaphore, #tpu.memory_space<semaphore_mem>>, %arg13: memref<!tpu.dma_semaphore, #tpu.memory_space<semaphore_mem>>, %arg14: memref<!tpu.dma_semaphore, #tpu.memory_space<semaphore_mem>>, %arg15: memref<!tpu.dma_semaphore, #tpu.memory_space<semaphore_mem>>, %arg16: memref<!tpu.dma_semaphore, #tpu.memory_space<semaphore_mem>>, %arg17: memref<!tpu.dma_semaphore, #tpu.memory_space<semaphore_mem>>, %arg18: memref<!tpu.dma_semaphore, #tpu.memory_space<semaphore_mem>>) attributes {dimension_semantics = [#tpu.dimension_semantics<core_parallel>, #tpu.dimension_semantics<subcore_parallel>], iteration_bounds = array<i64: 2, 16>, scalar_prefetch = 0 : i64, scratch_operands = 12 : i64, tpu.core_type = #tpu.core_type<sc_vector_subcore>, window_params = [{transform_indices = #map}, {transform_indices = #map1}, {transform_indices = #map2}, {transform_indices = #map}, {transform_indices = #map2}]} {
    %mul3A = arith.constant 2 : i32
    %mul3A_0 = arith.muli %arg1, %mul3A : i32
    %add3A = arith.addi %mul3A_0, %arg0 : i32
    %mul3A_1 = arith.constant 640 : i32
    %mul3A_2 = arith.muli %arg1, %mul3A_1 : i32
    %mul3A_3 = arith.constant 640 : i32
    %mul3A_4 = arith.muli %arg1, %mul3A_3 : i32
    %dma_start3A = arith.constant 0 : i32
    %dma_start3A_5 = tpu.memref_slice %arg11[%mul3A_4, %dma_start3A] : memref<10240x128xf32, #tpu.memory_space<vmem_shared>> -> memref<640x128xf32, #tpu.memory_space<vmem_shared>>
    %dma_start3A_6 = arith.constant 0 : i32
    %dma_start3A_7 = tpu.memref_slice %arg5[%mul3A_2, %dma_start3A_6] : memref<10240x128xf32, #tpu.memory_space<hbm>> -> memref<640x128xf32, #tpu.memory_space<hbm>>
    tpu.enqueue_dma source(%dma_start3A_7 : memref<640x128xf32, #tpu.memory_space<hbm>>) target(%dma_start3A_5 : memref<640x128xf32, #tpu.memory_space<vmem_shared>>) target_semaphore(%arg16 : memref<!tpu.dma_semaphore, #tpu.memory_space<semaphore_mem>>)
    %mul3A_8 = arith.constant 10000 : i32
    %mul3A_9 = arith.muli %add3A, %mul3A_8 : i32
    %dma_start3A_10 = tpu.memref_slice %arg3[%mul3A_9] : memref<320000xi32, #tpu.memory_space<hbm>> -> memref<10000xi32, #tpu.memory_space<hbm>>
    %dma_start3A_11 = tpu.memref_slice %arg3[%mul3A_9] : memref<320000xi32, #tpu.memory_space<hbm>> -> memref<10000xi32, #tpu.memory_space<hbm>>
    tpu.enqueue_dma source(%dma_start3A_11 : memref<10000xi32, #tpu.memory_space<hbm>>) target(%arg7 : memref<10000xi32, #tpu.memory_space<vmem>>) target_semaphore(%arg17 : memref<!tpu.dma_semaphore, #tpu.memory_space<semaphore_mem>>)
    %mul3A_12 = arith.constant 125 : i32
    %mul3A_13 = arith.muli %add3A, %mul3A_12 : i32
    %dma_start3A_14 = arith.constant 0 : i32
    %dma_start3A_15 = arith.constant 0 : i32
    %dma_start3A_16 = tpu.memref_slice %arg4[%mul3A_13, %dma_start3A_14, %dma_start3A_15] : memref<4000x1x80xi32, #tpu.memory_space<hbm>> -> memref<125x1x80xi32, #tpu.memory_space<hbm>>
    %dma_start3A_17 = tpu.memref_squeeze %dma_start3A_16 : memref<125x1x80xi32, #tpu.memory_space<hbm>> -> memref<125x80xi32, #tpu.memory_space<hbm>>
    %dma_start3A_18 = arith.constant 0 : i32
    %dma_start3A_19 = tpu.memref_slice %arg4[%mul3A_13, %dma_start3A_14, %dma_start3A_18] : memref<4000x1x80xi32, #tpu.memory_space<hbm>> -> memref<125x1x80xi32, #tpu.memory_space<hbm>>
    %dma_start3A_20 = tpu.memref_squeeze %dma_start3A_19 : memref<125x1x80xi32, #tpu.memory_space<hbm>> -> memref<125x80xi32, #tpu.memory_space<hbm>>
    tpu.enqueue_dma source(%dma_start3A_20 : memref<125x80xi32, #tpu.memory_space<hbm>>) target(%arg8 : memref<125x80xi32, #tpu.memory_space<vmem>>) target_semaphore(%arg18 : memref<!tpu.dma_semaphore, #tpu.memory_space<semaphore_mem>>)
    %mul3A_21 = arith.constant 10000 : i32
    %mul3A_22 = arith.muli %add3A, %mul3A_21 : i32
    %dma_wait3A = tpu.memref_slice %arg3[%mul3A_22] : memref<320000xi32, #tpu.memory_space<hbm>> -> memref<10000xi32, #tpu.memory_space<hbm>>
    %dma_wait3A_23 = tpu.memref_slice %arg3[%mul3A_22] : memref<320000xi32, #tpu.memory_space<hbm>> -> memref<10000xi32, #tpu.memory_space<hbm>>
    tpu.wait_dma2 semaphore(%arg17 : memref<!tpu.dma_semaphore, #tpu.memory_space<semaphore_mem>>) src(%dma_wait3A_23 : memref<10000xi32, #tpu.memory_space<hbm>>) dst(%arg7 : memref<10000xi32, #tpu.memory_space<vmem>>)
    %dma_start3A_24 = arith.constant 0 : i32
    %dma_start3A_25 = arith.constant 0 : i32
    %dma_start3A_26 = tpu.memref_slice %arg9[%dma_start3A_24, %dma_start3A_25] : memref<80x128xf32, #tpu.memory_space<vmem>> -> memref<40x128xf32, #tpu.memory_space<vmem>>
    %dma_start3A_27 = arith.constant 0 : i32
    %dma_start3A_28 = tpu.memref_slice %arg7[%dma_start3A_27] : memref<10000xi32, #tpu.memory_space<vmem>> -> memref<40xi32, #tpu.memory_space<vmem>>
    %dma_start3A_29 = arith.constant 0 : i32
    %dma_start3A_30 = arith.constant 0 : i32
    %dma_start3A_31 = tpu.memref_slice %arg2[%dma_start3A_29, %dma_start3A_30] : memref<10000x128xf32, #tpu.memory_space<hbm>> -> memref<10000x128xf32, #tpu.memory_space<hbm>>
    tpu.enqueue_indirect_dma source(%dma_start3A_31 : memref<10000x128xf32, #tpu.memory_space<hbm>>) target(%dma_start3A_26 : memref<40x128xf32, #tpu.memory_space<vmem>>) offsets(%dma_start3A_28 : memref<40xi32, #tpu.memory_space<vmem>>) semaphore(%arg12 : memref<!tpu.dma_semaphore, #tpu.memory_space<semaphore_mem>>)
    %dma_start3A_32 = arith.constant 40 : i32
    %dma_start3A_33 = arith.constant 0 : i32
    %dma_start3A_34 = tpu.memref_slice %arg9[%dma_start3A_32, %dma_start3A_33] : memref<80x128xf32, #tpu.memory_space<vmem>> -> memref<40x128xf32, #tpu.memory_space<vmem>>
    %dma_start3A_35 = arith.constant 40 : i32
    %dma_start3A_36 = tpu.memref_slice %arg7[%dma_start3A_35] : memref<10000xi32, #tpu.memory_space<vmem>> -> memref<40xi32, #tpu.memory_space<vmem>>
    %dma_start3A_37 = arith.constant 0 : i32
    %dma_start3A_38 = arith.constant 0 : i32
    %dma_start3A_39 = tpu.memref_slice %arg2[%dma_start3A_37, %dma_start3A_38] : memref<10000x128xf32, #tpu.memory_space<hbm>> -> memref<10000x128xf32, #tpu.memory_space<hbm>>
    tpu.enqueue_indirect_dma source(%dma_start3A_39 : memref<10000x128xf32, #tpu.memory_space<hbm>>) target(%dma_start3A_34 : memref<40x128xf32, #tpu.memory_space<vmem>>) offsets(%dma_start3A_36 : memref<40xi32, #tpu.memory_space<vmem>>) semaphore(%arg14 : memref<!tpu.dma_semaphore, #tpu.memory_space<semaphore_mem>>)
    %dma_start3A_40 = arith.constant 0 : i32
    %dma_start3A_41 = arith.constant 0 : i32
    %dma_start3A_42 = tpu.memref_slice %arg10[%dma_start3A_40, %dma_start3A_41] : memref<80x128xf32, #tpu.memory_space<vmem>> -> memref<40x128xf32, #tpu.memory_space<vmem>>
    %dma_start3A_43 = arith.constant 80 : i32
    %dma_start3A_44 = tpu.memref_slice %arg7[%dma_start3A_43] : memref<10000xi32, #tpu.memory_space<vmem>> -> memref<40xi32, #tpu.memory_space<vmem>>
    %dma_start3A_45 = arith.constant 0 : i32
    %dma_start3A_46 = arith.constant 0 : i32
    %dma_start3A_47 = tpu.memref_slice %arg2[%dma_start3A_45, %dma_start3A_46] : memref<10000x128xf32, #tpu.memory_space<hbm>> -> memref<10000x128xf32, #tpu.memory_space<hbm>>
    tpu.enqueue_indirect_dma source(%dma_start3A_47 : memref<10000x128xf32, #tpu.memory_space<hbm>>) target(%dma_start3A_42 : memref<40x128xf32, #tpu.memory_space<vmem>>) offsets(%dma_start3A_44 : memref<40xi32, #tpu.memory_space<vmem>>) semaphore(%arg13 : memref<!tpu.dma_semaphore, #tpu.memory_space<semaphore_mem>>)
    %dma_start3A_48 = arith.constant 40 : i32
    %dma_start3A_49 = arith.constant 0 : i32
    %dma_start3A_50 = tpu.memref_slice %arg10[%dma_start3A_48, %dma_start3A_49] : memref<80x128xf32, #tpu.memory_space<vmem>> -> memref<40x128xf32, #tpu.memory_space<vmem>>
    %dma_start3A_51 = arith.constant 120 : i32
    %dma_start3A_52 = tpu.memref_slice %arg7[%dma_start3A_51] : memref<10000xi32, #tpu.memory_space<vmem>> -> memref<40xi32, #tpu.memory_space<vmem>>
    %dma_start3A_53 = arith.constant 0 : i32
    %dma_start3A_54 = arith.constant 0 : i32
    %dma_start3A_55 = tpu.memref_slice %arg2[%dma_start3A_53, %dma_start3A_54] : memref<10000x128xf32, #tpu.memory_space<hbm>> -> memref<10000x128xf32, #tpu.memory_space<hbm>>
    tpu.enqueue_indirect_dma source(%dma_start3A_55 : memref<10000x128xf32, #tpu.memory_space<hbm>>) target(%dma_start3A_50 : memref<40x128xf32, #tpu.memory_space<vmem>>) offsets(%dma_start3A_52 : memref<40xi32, #tpu.memory_space<vmem>>) semaphore(%arg15 : memref<!tpu.dma_semaphore, #tpu.memory_space<semaphore_mem>>)
    %mul3A_56 = arith.constant 125 : i32
    %mul3A_57 = arith.muli %add3A, %mul3A_56 : i32
    %dma_wait3A_58 = arith.constant 0 : i32
    %dma_wait3A_59 = arith.constant 0 : i32
    %dma_wait3A_60 = tpu.memref_slice %arg4[%mul3A_57, %dma_wait3A_58, %dma_wait3A_59] : memref<4000x1x80xi32, #tpu.memory_space<hbm>> -> memref<125x1x80xi32, #tpu.memory_space<hbm>>
    %dma_wait3A_61 = tpu.memref_squeeze %dma_wait3A_60 : memref<125x1x80xi32, #tpu.memory_space<hbm>> -> memref<125x80xi32, #tpu.memory_space<hbm>>
    %dma_wait3A_62 = arith.constant 0 : i32
    %dma_wait3A_63 = tpu.memref_slice %arg4[%mul3A_57, %dma_wait3A_58, %dma_wait3A_62] : memref<4000x1x80xi32, #tpu.memory_space<hbm>> -> memref<125x1x80xi32, #tpu.memory_space<hbm>>
    %dma_wait3A_64 = tpu.memref_squeeze %dma_wait3A_63 : memref<125x1x80xi32, #tpu.memory_space<hbm>> -> memref<125x80xi32, #tpu.memory_space<hbm>>
    tpu.wait_dma2 semaphore(%arg18 : memref<!tpu.dma_semaphore, #tpu.memory_space<semaphore_mem>>) src(%dma_wait3A_64 : memref<125x80xi32, #tpu.memory_space<hbm>>) dst(%arg8 : memref<125x80xi32, #tpu.memory_space<vmem>>)
    %mul3A_65 = arith.constant 640 : i32
    %mul3A_66 = arith.muli %arg1, %mul3A_65 : i32
    %mul3A_67 = arith.constant 640 : i32
    %mul3A_68 = arith.muli %arg1, %mul3A_67 : i32
    %dma_wait3A_69 = arith.constant 0 : i32
    %dma_wait3A_70 = tpu.memref_slice %arg11[%mul3A_68, %dma_wait3A_69] : memref<10240x128xf32, #tpu.memory_space<vmem_shared>> -> memref<640x128xf32, #tpu.memory_space<vmem_shared>>
    %dma_wait3A_71 = arith.constant 0 : i32
    %dma_wait3A_72 = tpu.memref_slice %arg5[%mul3A_66, %dma_wait3A_71] : memref<10240x128xf32, #tpu.memory_space<hbm>> -> memref<640x128xf32, #tpu.memory_space<hbm>>
    tpu.wait_dma2 semaphore(%arg16 : memref<!tpu.dma_semaphore, #tpu.memory_space<semaphore_mem>>) src(%dma_wait3A_72 : memref<640x128xf32, #tpu.memory_space<hbm>>) dst(%dma_wait3A_70 : memref<640x128xf32, #tpu.memory_space<vmem_shared>>)
    %barrier3A = arith.constant 0 : index
    tpu.barrier barrier_id(%barrier3A)
    %scan3A = arith.constant 0 : i32
    %scan3A_73 = arith.constant 0 : i32
    %scan3A_74 = arith.constant 61 : i32
    %scan3A_75 = arith.addi %scan3A_73, %scan3A_74 : i32
    %scan3A_76 = arith.constant 1 : i32
    scf.for %scan3A_149 = %scan3A_73 to %scan3A_75 step %scan3A_76  : i32 {
      %mul3A_150 = arith.constant 2 : i32
      %mul3A_151 = arith.muli %scan3A_149, %mul3A_150 : i32
      %dma_wait3A_152 = arith.constant 0 : i32
      %dma_wait3A_153 = arith.constant 0 : i32
      %dma_wait3A_154 = tpu.memref_slice %arg9[%dma_wait3A_152, %dma_wait3A_153] : memref<80x128xf32, #tpu.memory_space<vmem>> -> memref<40x128xf32, #tpu.memory_space<vmem>>
      %dma_wait3A_155 = arith.constant 0 : i32
      %dma_wait3A_156 = tpu.memref_slice %arg7[%dma_wait3A_155] : memref<10000xi32, #tpu.memory_space<vmem>> -> memref<40xi32, #tpu.memory_space<vmem>>
      %dma_wait3A_157 = arith.constant 0 : i32
      %dma_wait3A_158 = arith.constant 0 : i32
      %dma_wait3A_159 = tpu.memref_slice %arg2[%dma_wait3A_157, %dma_wait3A_158] : memref<10000x128xf32, #tpu.memory_space<hbm>> -> memref<10000x128xf32, #tpu.memory_space<hbm>>
      tpu.wait_indirect_dma semaphore(%arg12 : memref<!tpu.dma_semaphore, #tpu.memory_space<semaphore_mem>>) src(%dma_wait3A_159 : memref<10000x128xf32, #tpu.memory_space<hbm>>) dst(%dma_wait3A_154 : memref<40x128xf32, #tpu.memory_space<vmem>>)
      %dma_wait3A_160 = arith.constant 40 : i32
      %dma_wait3A_161 = arith.constant 0 : i32
      %dma_wait3A_162 = tpu.memref_slice %arg9[%dma_wait3A_160, %dma_wait3A_161] : memref<80x128xf32, #tpu.memory_space<vmem>> -> memref<40x128xf32, #tpu.memory_space<vmem>>
      %dma_wait3A_163 = arith.constant 0 : i32
      %dma_wait3A_164 = tpu.memref_slice %arg7[%dma_wait3A_163] : memref<10000xi32, #tpu.memory_space<vmem>> -> memref<40xi32, #tpu.memory_space<vmem>>
      %dma_wait3A_165 = arith.constant 0 : i32
      %dma_wait3A_166 = arith.constant 0 : i32
      %dma_wait3A_167 = tpu.memref_slice %arg2[%dma_wait3A_165, %dma_wait3A_166] : memref<10000x128xf32, #tpu.memory_space<hbm>> -> memref<10000x128xf32, #tpu.memory_space<hbm>>
      tpu.wait_indirect_dma semaphore(%arg14 : memref<!tpu.dma_semaphore, #tpu.memory_space<semaphore_mem>>) src(%dma_wait3A_167 : memref<10000x128xf32, #tpu.memory_space<hbm>>) dst(%dma_wait3A_162 : memref<40x128xf32, #tpu.memory_space<vmem>>)
      "tpu.region"() ({
        %run_scoped3A_234 = tpu.sem_alloc : memref<!tpu.dma_semaphore, #tpu.memory_space<semaphore_mem>>
        %dma_start3A_235 = arith.constant 0 : i32
        %dma_start3A_236 = tpu.memref_slice %arg8[%mul3A_151, %dma_start3A_235] : memref<125x80xi32, #tpu.memory_space<vmem>> -> memref<1x80xi32, #tpu.memory_space<vmem>>
        %dma_start3A_237 = tpu.memref_squeeze %dma_start3A_236 : memref<1x80xi32, #tpu.memory_space<vmem>> -> memref<80xi32, #tpu.memory_space<vmem>>
        %dma_start3A_238 = arith.constant 0 : i32
        %dma_start3A_239 = arith.constant 0 : i32
        %dma_start3A_240 = tpu.memref_slice %arg11[%dma_start3A_238, %dma_start3A_239] : memref<10240x128xf32, #tpu.memory_space<vmem_shared>> -> memref<10240x128xf32, #tpu.memory_space<vmem_shared>>
        tpu.enqueue_indirect_dma source(%arg9 : memref<80x128xf32, #tpu.memory_space<vmem>>) target(%dma_start3A_240 : memref<10240x128xf32, #tpu.memory_space<vmem_shared>>) offsets(%dma_start3A_237 : memref<80xi32, #tpu.memory_space<vmem>>) semaphore(%run_scoped3A_234 : memref<!tpu.dma_semaphore, #tpu.memory_space<semaphore_mem>>) {add = true}
        %dma_wait3A_241 = arith.constant 0 : i32
        %dma_wait3A_242 = tpu.memref_slice %arg8[%mul3A_151, %dma_wait3A_241] : memref<125x80xi32, #tpu.memory_space<vmem>> -> memref<1x80xi32, #tpu.memory_space<vmem>>
        %dma_wait3A_243 = tpu.memref_squeeze %dma_wait3A_242 : memref<1x80xi32, #tpu.memory_space<vmem>> -> memref<80xi32, #tpu.memory_space<vmem>>
        %dma_wait3A_244 = arith.constant 0 : i32
        %dma_wait3A_245 = arith.constant 0 : i32
        %dma_wait3A_246 = tpu.memref_slice %arg11[%dma_wait3A_244, %dma_wait3A_245] : memref<10240x128xf32, #tpu.memory_space<vmem_shared>> -> memref<10240x128xf32, #tpu.memory_space<vmem_shared>>
        tpu.wait_indirect_dma semaphore(%run_scoped3A_234 : memref<!tpu.dma_semaphore, #tpu.memory_space<semaphore_mem>>) src(%arg9 : memref<80x128xf32, #tpu.memory_space<vmem>>) dst(%dma_wait3A_246 : memref<10240x128xf32, #tpu.memory_space<vmem_shared>>)
        tpu.yield
      }) : () -> ()
      %add3A_168 = arith.constant 2 : i32
      %add3A_169 = arith.addi %mul3A_151, %add3A_168 : i32
      %mul3A_170 = arith.constant 80 : i32
      %mul3A_171 = arith.muli %add3A_169, %mul3A_170 : i32
      %add3A_172 = arith.constant 0 : i32
      %add3A_173 = arith.addi %mul3A_171, %add3A_172 : i32
      %dma_start3A_174 = arith.constant 0 : i32
      %dma_start3A_175 = arith.constant 0 : i32
      %dma_start3A_176 = tpu.memref_slice %arg9[%dma_start3A_174, %dma_start3A_175] : memref<80x128xf32, #tpu.memory_space<vmem>> -> memref<40x128xf32, #tpu.memory_space<vmem>>
      %dma_start3A_177 = tpu.memref_slice %arg7[%add3A_173] : memref<10000xi32, #tpu.memory_space<vmem>> -> memref<40xi32, #tpu.memory_space<vmem>>
      %dma_start3A_178 = arith.constant 0 : i32
      %dma_start3A_179 = arith.constant 0 : i32
      %dma_start3A_180 = tpu.memref_slice %arg2[%dma_start3A_178, %dma_start3A_179] : memref<10000x128xf32, #tpu.memory_space<hbm>> -> memref<10000x128xf32, #tpu.memory_space<hbm>>
      tpu.enqueue_indirect_dma source(%dma_start3A_180 : memref<10000x128xf32, #tpu.memory_space<hbm>>) target(%dma_start3A_176 : memref<40x128xf32, #tpu.memory_space<vmem>>) offsets(%dma_start3A_177 : memref<40xi32, #tpu.memory_space<vmem>>) semaphore(%arg12 : memref<!tpu.dma_semaphore, #tpu.memory_space<semaphore_mem>>)
      %mul3A_181 = arith.constant 80 : i32
      %mul3A_182 = arith.muli %add3A_169, %mul3A_181 : i32
      %add3A_183 = arith.constant 40 : i32
      %add3A_184 = arith.addi %mul3A_182, %add3A_183 : i32
      %dma_start3A_185 = arith.constant 40 : i32
      %dma_start3A_186 = arith.constant 0 : i32
      %dma_start3A_187 = tpu.memref_slice %arg9[%dma_start3A_185, %dma_start3A_186] : memref<80x128xf32, #tpu.memory_space<vmem>> -> memref<40x128xf32, #tpu.memory_space<vmem>>
      %dma_start3A_188 = tpu.memref_slice %arg7[%add3A_184] : memref<10000xi32, #tpu.memory_space<vmem>> -> memref<40xi32, #tpu.memory_space<vmem>>
      %dma_start3A_189 = arith.constant 0 : i32
      %dma_start3A_190 = arith.constant 0 : i32
      %dma_start3A_191 = tpu.memref_slice %arg2[%dma_start3A_189, %dma_start3A_190] : memref<10000x128xf32, #tpu.memory_space<hbm>> -> memref<10000x128xf32, #tpu.memory_space<hbm>>
      tpu.enqueue_indirect_dma source(%dma_start3A_191 : memref<10000x128xf32, #tpu.memory_space<hbm>>) target(%dma_start3A_187 : memref<40x128xf32, #tpu.memory_space<vmem>>) offsets(%dma_start3A_188 : memref<40xi32, #tpu.memory_space<vmem>>) semaphore(%arg14 : memref<!tpu.dma_semaphore, #tpu.memory_space<semaphore_mem>>)
      %dma_wait3A_192 = arith.constant 0 : i32
      %dma_wait3A_193 = arith.constant 0 : i32
      %dma_wait3A_194 = tpu.memref_slice %arg10[%dma_wait3A_192, %dma_wait3A_193] : memref<80x128xf32, #tpu.memory_space<vmem>> -> memref<40x128xf32, #tpu.memory_space<vmem>>
      %dma_wait3A_195 = arith.constant 0 : i32
      %dma_wait3A_196 = tpu.memref_slice %arg7[%dma_wait3A_195] : memref<10000xi32, #tpu.memory_space<vmem>> -> memref<40xi32, #tpu.memory_space<vmem>>
      %dma_wait3A_197 = arith.constant 0 : i32
      %dma_wait3A_198 = arith.constant 0 : i32
      %dma_wait3A_199 = tpu.memref_slice %arg2[%dma_wait3A_197, %dma_wait3A_198] : memref<10000x128xf32, #tpu.memory_space<hbm>> -> memref<10000x128xf32, #tpu.memory_space<hbm>>
      tpu.wait_indirect_dma semaphore(%arg13 : memref<!tpu.dma_semaphore, #tpu.memory_space<semaphore_mem>>) src(%dma_wait3A_199 : memref<10000x128xf32, #tpu.memory_space<hbm>>) dst(%dma_wait3A_194 : memref<40x128xf32, #tpu.memory_space<vmem>>)
      %dma_wait3A_200 = arith.constant 40 : i32
      %dma_wait3A_201 = arith.constant 0 : i32
      %dma_wait3A_202 = tpu.memref_slice %arg10[%dma_wait3A_200, %dma_wait3A_201] : memref<80x128xf32, #tpu.memory_space<vmem>> -> memref<40x128xf32, #tpu.memory_space<vmem>>
      %dma_wait3A_203 = arith.constant 0 : i32
      %dma_wait3A_204 = tpu.memref_slice %arg7[%dma_wait3A_203] : memref<10000xi32, #tpu.memory_space<vmem>> -> memref<40xi32, #tpu.memory_space<vmem>>
      %dma_wait3A_205 = arith.constant 0 : i32
      %dma_wait3A_206 = arith.constant 0 : i32
      %dma_wait3A_207 = tpu.memref_slice %arg2[%dma_wait3A_205, %dma_wait3A_206] : memref<10000x128xf32, #tpu.memory_space<hbm>> -> memref<10000x128xf32, #tpu.memory_space<hbm>>
      tpu.wait_indirect_dma semaphore(%arg15 : memref<!tpu.dma_semaphore, #tpu.memory_space<semaphore_mem>>) src(%dma_wait3A_207 : memref<10000x128xf32, #tpu.memory_space<hbm>>) dst(%dma_wait3A_202 : memref<40x128xf32, #tpu.memory_space<vmem>>)
      %add3A_208 = arith.constant 1 : i32
      %add3A_209 = arith.addi %mul3A_151, %add3A_208 : i32
      "tpu.region"() ({
        %run_scoped3A_234 = tpu.sem_alloc : memref<!tpu.dma_semaphore, #tpu.memory_space<semaphore_mem>>
        %dma_start3A_235 = arith.constant 0 : i32
        %dma_start3A_236 = tpu.memref_slice %arg8[%add3A_209, %dma_start3A_235] : memref<125x80xi32, #tpu.memory_space<vmem>> -> memref<1x80xi32, #tpu.memory_space<vmem>>
        %dma_start3A_237 = tpu.memref_squeeze %dma_start3A_236 : memref<1x80xi32, #tpu.memory_space<vmem>> -> memref<80xi32, #tpu.memory_space<vmem>>
        %dma_start3A_238 = arith.constant 0 : i32
        %dma_start3A_239 = arith.constant 0 : i32
        %dma_start3A_240 = tpu.memref_slice %arg11[%dma_start3A_238, %dma_start3A_239] : memref<10240x128xf32, #tpu.memory_space<vmem_shared>> -> memref<10240x128xf32, #tpu.memory_space<vmem_shared>>
        tpu.enqueue_indirect_dma source(%arg10 : memref<80x128xf32, #tpu.memory_space<vmem>>) target(%dma_start3A_240 : memref<10240x128xf32, #tpu.memory_space<vmem_shared>>) offsets(%dma_start3A_237 : memref<80xi32, #tpu.memory_space<vmem>>) semaphore(%run_scoped3A_234 : memref<!tpu.dma_semaphore, #tpu.memory_space<semaphore_mem>>) {add = true}
        %dma_wait3A_241 = arith.constant 0 : i32
        %dma_wait3A_242 = tpu.memref_slice %arg8[%add3A_209, %dma_wait3A_241] : memref<125x80xi32, #tpu.memory_space<vmem>> -> memref<1x80xi32, #tpu.memory_space<vmem>>
        %dma_wait3A_243 = tpu.memref_squeeze %dma_wait3A_242 : memref<1x80xi32, #tpu.memory_space<vmem>> -> memref<80xi32, #tpu.memory_space<vmem>>
        %dma_wait3A_244 = arith.constant 0 : i32
        %dma_wait3A_245 = arith.constant 0 : i32
        %dma_wait3A_246 = tpu.memref_slice %arg11[%dma_wait3A_244, %dma_wait3A_245] : memref<10240x128xf32, #tpu.memory_space<vmem_shared>> -> memref<10240x128xf32, #tpu.memory_space<vmem_shared>>
        tpu.wait_indirect_dma semaphore(%run_scoped3A_234 : memref<!tpu.dma_semaphore, #tpu.memory_space<semaphore_mem>>) src(%arg10 : memref<80x128xf32, #tpu.memory_space<vmem>>) dst(%dma_wait3A_246 : memref<10240x128xf32, #tpu.memory_space<vmem_shared>>)
        tpu.yield
      }) : () -> ()
      %add3A_210 = arith.constant 3 : i32
      %add3A_211 = arith.addi %mul3A_151, %add3A_210 : i32
      %mul3A_212 = arith.constant 80 : i32
      %mul3A_213 = arith.muli %add3A_211, %mul3A_212 : i32
      %add3A_214 = arith.constant 0 : i32
      %add3A_215 = arith.addi %mul3A_213, %add3A_214 : i32
      %dma_start3A_216 = arith.constant 0 : i32
      %dma_start3A_217 = arith.constant 0 : i32
      %dma_start3A_218 = tpu.memref_slice %arg10[%dma_start3A_216, %dma_start3A_217] : memref<80x128xf32, #tpu.memory_space<vmem>> -> memref<40x128xf32, #tpu.memory_space<vmem>>
      %dma_start3A_219 = tpu.memref_slice %arg7[%add3A_215] : memref<10000xi32, #tpu.memory_space<vmem>> -> memref<40xi32, #tpu.memory_space<vmem>>
      %dma_start3A_220 = arith.constant 0 : i32
      %dma_start3A_221 = arith.constant 0 : i32
      %dma_start3A_222 = tpu.memref_slice %arg2[%dma_start3A_220, %dma_start3A_221] : memref<10000x128xf32, #tpu.memory_space<hbm>> -> memref<10000x128xf32, #tpu.memory_space<hbm>>
      tpu.enqueue_indirect_dma source(%dma_start3A_222 : memref<10000x128xf32, #tpu.memory_space<hbm>>) target(%dma_start3A_218 : memref<40x128xf32, #tpu.memory_space<vmem>>) offsets(%dma_start3A_219 : memref<40xi32, #tpu.memory_space<vmem>>) semaphore(%arg13 : memref<!tpu.dma_semaphore, #tpu.memory_space<semaphore_mem>>)
      %mul3A_223 = arith.constant 80 : i32
      %mul3A_224 = arith.muli %add3A_211, %mul3A_223 : i32
      %add3A_225 = arith.constant 40 : i32
      %add3A_226 = arith.addi %mul3A_224, %add3A_225 : i32
      %dma_start3A_227 = arith.constant 40 : i32
      %dma_start3A_228 = arith.constant 0 : i32
      %dma_start3A_229 = tpu.memref_slice %arg10[%dma_start3A_227, %dma_start3A_228] : memref<80x128xf32, #tpu.memory_space<vmem>> -> memref<40x128xf32, #tpu.memory_space<vmem>>
      %dma_start3A_230 = tpu.memref_slice %arg7[%add3A_226] : memref<10000xi32, #tpu.memory_space<vmem>> -> memref<40xi32, #tpu.memory_space<vmem>>
      %dma_start3A_231 = arith.constant 0 : i32
      %dma_start3A_232 = arith.constant 0 : i32
      %dma_start3A_233 = tpu.memref_slice %arg2[%dma_start3A_231, %dma_start3A_232] : memref<10000x128xf32, #tpu.memory_space<hbm>> -> memref<10000x128xf32, #tpu.memory_space<hbm>>
      tpu.enqueue_indirect_dma source(%dma_start3A_233 : memref<10000x128xf32, #tpu.memory_space<hbm>>) target(%dma_start3A_229 : memref<40x128xf32, #tpu.memory_space<vmem>>) offsets(%dma_start3A_230 : memref<40xi32, #tpu.memory_space<vmem>>) semaphore(%arg15 : memref<!tpu.dma_semaphore, #tpu.memory_space<semaphore_mem>>)
    }
    %scan3A_77 = arith.constant 61 : i32
    %dma_wait3A_78 = arith.constant 0 : i32
    %dma_wait3A_79 = arith.constant 0 : i32
    %dma_wait3A_80 = tpu.memref_slice %arg9[%dma_wait3A_78, %dma_wait3A_79] : memref<80x128xf32, #tpu.memory_space<vmem>> -> memref<40x128xf32, #tpu.memory_space<vmem>>
    %dma_wait3A_81 = arith.constant 0 : i32
    %dma_wait3A_82 = tpu.memref_slice %arg7[%dma_wait3A_81] : memref<10000xi32, #tpu.memory_space<vmem>> -> memref<40xi32, #tpu.memory_space<vmem>>
    %dma_wait3A_83 = arith.constant 0 : i32
    %dma_wait3A_84 = arith.constant 0 : i32
    %dma_wait3A_85 = tpu.memref_slice %arg2[%dma_wait3A_83, %dma_wait3A_84] : memref<10000x128xf32, #tpu.memory_space<hbm>> -> memref<10000x128xf32, #tpu.memory_space<hbm>>
    tpu.wait_indirect_dma semaphore(%arg12 : memref<!tpu.dma_semaphore, #tpu.memory_space<semaphore_mem>>) src(%dma_wait3A_85 : memref<10000x128xf32, #tpu.memory_space<hbm>>) dst(%dma_wait3A_80 : memref<40x128xf32, #tpu.memory_space<vmem>>)
    %dma_wait3A_86 = arith.constant 40 : i32
    %dma_wait3A_87 = arith.constant 0 : i32
    %dma_wait3A_88 = tpu.memref_slice %arg9[%dma_wait3A_86, %dma_wait3A_87] : memref<80x128xf32, #tpu.memory_space<vmem>> -> memref<40x128xf32, #tpu.memory_space<vmem>>
    %dma_wait3A_89 = arith.constant 0 : i32
    %dma_wait3A_90 = tpu.memref_slice %arg7[%dma_wait3A_89] : memref<10000xi32, #tpu.memory_space<vmem>> -> memref<40xi32, #tpu.memory_space<vmem>>
    %dma_wait3A_91 = arith.constant 0 : i32
    %dma_wait3A_92 = arith.constant 0 : i32
    %dma_wait3A_93 = tpu.memref_slice %arg2[%dma_wait3A_91, %dma_wait3A_92] : memref<10000x128xf32, #tpu.memory_space<hbm>> -> memref<10000x128xf32, #tpu.memory_space<hbm>>
    tpu.wait_indirect_dma semaphore(%arg14 : memref<!tpu.dma_semaphore, #tpu.memory_space<semaphore_mem>>) src(%dma_wait3A_93 : memref<10000x128xf32, #tpu.memory_space<hbm>>) dst(%dma_wait3A_88 : memref<40x128xf32, #tpu.memory_space<vmem>>)
    %run_scoped3A = arith.constant 122 : i32
    "tpu.region"() ({
      %run_scoped3A_149 = tpu.sem_alloc : memref<!tpu.dma_semaphore, #tpu.memory_space<semaphore_mem>>
      %dma_start3A_150 = arith.constant 0 : i32
      %dma_start3A_151 = tpu.memref_slice %arg8[%run_scoped3A, %dma_start3A_150] : memref<125x80xi32, #tpu.memory_space<vmem>> -> memref<1x80xi32, #tpu.memory_space<vmem>>
      %dma_start3A_152 = tpu.memref_squeeze %dma_start3A_151 : memref<1x80xi32, #tpu.memory_space<vmem>> -> memref<80xi32, #tpu.memory_space<vmem>>
      %dma_start3A_153 = arith.constant 0 : i32
      %dma_start3A_154 = arith.constant 0 : i32
      %dma_start3A_155 = tpu.memref_slice %arg11[%dma_start3A_153, %dma_start3A_154] : memref<10240x128xf32, #tpu.memory_space<vmem_shared>> -> memref<10240x128xf32, #tpu.memory_space<vmem_shared>>
      tpu.enqueue_indirect_dma source(%arg9 : memref<80x128xf32, #tpu.memory_space<vmem>>) target(%dma_start3A_155 : memref<10240x128xf32, #tpu.memory_space<vmem_shared>>) offsets(%dma_start3A_152 : memref<80xi32, #tpu.memory_space<vmem>>) semaphore(%run_scoped3A_149 : memref<!tpu.dma_semaphore, #tpu.memory_space<semaphore_mem>>) {add = true}
      %dma_wait3A_156 = arith.constant 0 : i32
      %dma_wait3A_157 = tpu.memref_slice %arg8[%run_scoped3A, %dma_wait3A_156] : memref<125x80xi32, #tpu.memory_space<vmem>> -> memref<1x80xi32, #tpu.memory_space<vmem>>
      %dma_wait3A_158 = tpu.memref_squeeze %dma_wait3A_157 : memref<1x80xi32, #tpu.memory_space<vmem>> -> memref<80xi32, #tpu.memory_space<vmem>>
      %dma_wait3A_159 = arith.constant 0 : i32
      %dma_wait3A_160 = arith.constant 0 : i32
      %dma_wait3A_161 = tpu.memref_slice %arg11[%dma_wait3A_159, %dma_wait3A_160] : memref<10240x128xf32, #tpu.memory_space<vmem_shared>> -> memref<10240x128xf32, #tpu.memory_space<vmem_shared>>
      tpu.wait_indirect_dma semaphore(%run_scoped3A_149 : memref<!tpu.dma_semaphore, #tpu.memory_space<semaphore_mem>>) src(%arg9 : memref<80x128xf32, #tpu.memory_space<vmem>>) dst(%dma_wait3A_161 : memref<10240x128xf32, #tpu.memory_space<vmem_shared>>)
      tpu.yield
    }) : () -> ()
    %dma_start3A_94 = arith.constant 0 : i32
    %dma_start3A_95 = arith.constant 0 : i32
    %dma_start3A_96 = tpu.memref_slice %arg9[%dma_start3A_94, %dma_start3A_95] : memref<80x128xf32, #tpu.memory_space<vmem>> -> memref<40x128xf32, #tpu.memory_space<vmem>>
    %dma_start3A_97 = arith.constant 9920 : i32
    %dma_start3A_98 = tpu.memref_slice %arg7[%dma_start3A_97] : memref<10000xi32, #tpu.memory_space<vmem>> -> memref<40xi32, #tpu.memory_space<vmem>>
    %dma_start3A_99 = arith.constant 0 : i32
    %dma_start3A_100 = arith.constant 0 : i32
    %dma_start3A_101 = tpu.memref_slice %arg2[%dma_start3A_99, %dma_start3A_100] : memref<10000x128xf32, #tpu.memory_space<hbm>> -> memref<10000x128xf32, #tpu.memory_space<hbm>>
    tpu.enqueue_indirect_dma source(%dma_start3A_101 : memref<10000x128xf32, #tpu.memory_space<hbm>>) target(%dma_start3A_96 : memref<40x128xf32, #tpu.memory_space<vmem>>) offsets(%dma_start3A_98 : memref<40xi32, #tpu.memory_space<vmem>>) semaphore(%arg12 : memref<!tpu.dma_semaphore, #tpu.memory_space<semaphore_mem>>)
    %dma_start3A_102 = arith.constant 40 : i32
    %dma_start3A_103 = arith.constant 0 : i32
    %dma_start3A_104 = tpu.memref_slice %arg9[%dma_start3A_102, %dma_start3A_103] : memref<80x128xf32, #tpu.memory_space<vmem>> -> memref<40x128xf32, #tpu.memory_space<vmem>>
    %dma_start3A_105 = arith.constant 9960 : i32
    %dma_start3A_106 = tpu.memref_slice %arg7[%dma_start3A_105] : memref<10000xi32, #tpu.memory_space<vmem>> -> memref<40xi32, #tpu.memory_space<vmem>>
    %dma_start3A_107 = arith.constant 0 : i32
    %dma_start3A_108 = arith.constant 0 : i32
    %dma_start3A_109 = tpu.memref_slice %arg2[%dma_start3A_107, %dma_start3A_108] : memref<10000x128xf32, #tpu.memory_space<hbm>> -> memref<10000x128xf32, #tpu.memory_space<hbm>>
    tpu.enqueue_indirect_dma source(%dma_start3A_109 : memref<10000x128xf32, #tpu.memory_space<hbm>>) target(%dma_start3A_104 : memref<40x128xf32, #tpu.memory_space<vmem>>) offsets(%dma_start3A_106 : memref<40xi32, #tpu.memory_space<vmem>>) semaphore(%arg14 : memref<!tpu.dma_semaphore, #tpu.memory_space<semaphore_mem>>)
    %dma_wait3A_110 = arith.constant 0 : i32
    %dma_wait3A_111 = arith.constant 0 : i32
    %dma_wait3A_112 = tpu.memref_slice %arg10[%dma_wait3A_110, %dma_wait3A_111] : memref<80x128xf32, #tpu.memory_space<vmem>> -> memref<40x128xf32, #tpu.memory_space<vmem>>
    %dma_wait3A_113 = arith.constant 0 : i32
    %dma_wait3A_114 = tpu.memref_slice %arg7[%dma_wait3A_113] : memref<10000xi32, #tpu.memory_space<vmem>> -> memref<40xi32, #tpu.memory_space<vmem>>
    %dma_wait3A_115 = arith.constant 0 : i32
    %dma_wait3A_116 = arith.constant 0 : i32
    %dma_wait3A_117 = tpu.memref_slice %arg2[%dma_wait3A_115, %dma_wait3A_116] : memref<10000x128xf32, #tpu.memory_space<hbm>> -> memref<10000x128xf32, #tpu.memory_space<hbm>>
    tpu.wait_indirect_dma semaphore(%arg13 : memref<!tpu.dma_semaphore, #tpu.memory_space<semaphore_mem>>) src(%dma_wait3A_117 : memref<10000x128xf32, #tpu.memory_space<hbm>>) dst(%dma_wait3A_112 : memref<40x128xf32, #tpu.memory_space<vmem>>)
    %dma_wait3A_118 = arith.constant 40 : i32
    %dma_wait3A_119 = arith.constant 0 : i32
    %dma_wait3A_120 = tpu.memref_slice %arg10[%dma_wait3A_118, %dma_wait3A_119] : memref<80x128xf32, #tpu.memory_space<vmem>> -> memref<40x128xf32, #tpu.memory_space<vmem>>
    %dma_wait3A_121 = arith.constant 0 : i32
    %dma_wait3A_122 = tpu.memref_slice %arg7[%dma_wait3A_121] : memref<10000xi32, #tpu.memory_space<vmem>> -> memref<40xi32, #tpu.memory_space<vmem>>
    %dma_wait3A_123 = arith.constant 0 : i32
    %dma_wait3A_124 = arith.constant 0 : i32
    %dma_wait3A_125 = tpu.memref_slice %arg2[%dma_wait3A_123, %dma_wait3A_124] : memref<10000x128xf32, #tpu.memory_space<hbm>> -> memref<10000x128xf32, #tpu.memory_space<hbm>>
    tpu.wait_indirect_dma semaphore(%arg15 : memref<!tpu.dma_semaphore, #tpu.memory_space<semaphore_mem>>) src(%dma_wait3A_125 : memref<10000x128xf32, #tpu.memory_space<hbm>>) dst(%dma_wait3A_120 : memref<40x128xf32, #tpu.memory_space<vmem>>)
    %run_scoped3A_126 = arith.constant 123 : i32
    "tpu.region"() ({
      %run_scoped3A_149 = tpu.sem_alloc : memref<!tpu.dma_semaphore, #tpu.memory_space<semaphore_mem>>
      %dma_start3A_150 = arith.constant 0 : i32
      %dma_start3A_151 = tpu.memref_slice %arg8[%run_scoped3A_126, %dma_start3A_150] : memref<125x80xi32, #tpu.memory_space<vmem>> -> memref<1x80xi32, #tpu.memory_space<vmem>>
      %dma_start3A_152 = tpu.memref_squeeze %dma_start3A_151 : memref<1x80xi32, #tpu.memory_space<vmem>> -> memref<80xi32, #tpu.memory_space<vmem>>
      %dma_start3A_153 = arith.constant 0 : i32
      %dma_start3A_154 = arith.constant 0 : i32
      %dma_start3A_155 = tpu.memref_slice %arg11[%dma_start3A_153, %dma_start3A_154] : memref<10240x128xf32, #tpu.memory_space<vmem_shared>> -> memref<10240x128xf32, #tpu.memory_space<vmem_shared>>
      tpu.enqueue_indirect_dma source(%arg10 : memref<80x128xf32, #tpu.memory_space<vmem>>) target(%dma_start3A_155 : memref<10240x128xf32, #tpu.memory_space<vmem_shared>>) offsets(%dma_start3A_152 : memref<80xi32, #tpu.memory_space<vmem>>) semaphore(%run_scoped3A_149 : memref<!tpu.dma_semaphore, #tpu.memory_space<semaphore_mem>>) {add = true}
      %dma_wait3A_156 = arith.constant 0 : i32
      %dma_wait3A_157 = tpu.memref_slice %arg8[%run_scoped3A_126, %dma_wait3A_156] : memref<125x80xi32, #tpu.memory_space<vmem>> -> memref<1x80xi32, #tpu.memory_space<vmem>>
      %dma_wait3A_158 = tpu.memref_squeeze %dma_wait3A_157 : memref<1x80xi32, #tpu.memory_space<vmem>> -> memref<80xi32, #tpu.memory_space<vmem>>
      %dma_wait3A_159 = arith.constant 0 : i32
      %dma_wait3A_160 = arith.constant 0 : i32
      %dma_wait3A_161 = tpu.memref_slice %arg11[%dma_wait3A_159, %dma_wait3A_160] : memref<10240x128xf32, #tpu.memory_space<vmem_shared>> -> memref<10240x128xf32, #tpu.memory_space<vmem_shared>>
      tpu.wait_indirect_dma semaphore(%run_scoped3A_149 : memref<!tpu.dma_semaphore, #tpu.memory_space<semaphore_mem>>) src(%arg10 : memref<80x128xf32, #tpu.memory_space<vmem>>) dst(%dma_wait3A_161 : memref<10240x128xf32, #tpu.memory_space<vmem_shared>>)
      tpu.yield
    }) : () -> ()
    %dma_wait3A_127 = arith.constant 0 : i32
    %dma_wait3A_128 = arith.constant 0 : i32
    %dma_wait3A_129 = tpu.memref_slice %arg9[%dma_wait3A_127, %dma_wait3A_128] : memref<80x128xf32, #tpu.memory_space<vmem>> -> memref<40x128xf32, #tpu.memory_space<vmem>>
    %dma_wait3A_130 = arith.constant 0 : i32
    %dma_wait3A_131 = tpu.memref_slice %arg7[%dma_wait3A_130] : memref<10000xi32, #tpu.memory_space<vmem>> -> memref<40xi32, #tpu.memory_space<vmem>>
    %dma_wait3A_132 = arith.constant 0 : i32
    %dma_wait3A_133 = arith.constant 0 : i32
    %dma_wait3A_134 = tpu.memref_slice %arg2[%dma_wait3A_132, %dma_wait3A_133] : memref<10000x128xf32, #tpu.memory_space<hbm>> -> memref<10000x128xf32, #tpu.memory_space<hbm>>
    tpu.wait_indirect_dma semaphore(%arg12 : memref<!tpu.dma_semaphore, #tpu.memory_space<semaphore_mem>>) src(%dma_wait3A_134 : memref<10000x128xf32, #tpu.memory_space<hbm>>) dst(%dma_wait3A_129 : memref<40x128xf32, #tpu.memory_space<vmem>>)
    %dma_wait3A_135 = arith.constant 40 : i32
    %dma_wait3A_136 = arith.constant 0 : i32
    %dma_wait3A_137 = tpu.memref_slice %arg9[%dma_wait3A_135, %dma_wait3A_136] : memref<80x128xf32, #tpu.memory_space<vmem>> -> memref<40x128xf32, #tpu.memory_space<vmem>>
    %dma_wait3A_138 = arith.constant 0 : i32
    %dma_wait3A_139 = tpu.memref_slice %arg7[%dma_wait3A_138] : memref<10000xi32, #tpu.memory_space<vmem>> -> memref<40xi32, #tpu.memory_space<vmem>>
    %dma_wait3A_140 = arith.constant 0 : i32
    %dma_wait3A_141 = arith.constant 0 : i32
    %dma_wait3A_142 = tpu.memref_slice %arg2[%dma_wait3A_140, %dma_wait3A_141] : memref<10000x128xf32, #tpu.memory_space<hbm>> -> memref<10000x128xf32, #tpu.memory_space<hbm>>
    tpu.wait_indirect_dma semaphore(%arg14 : memref<!tpu.dma_semaphore, #tpu.memory_space<semaphore_mem>>) src(%dma_wait3A_142 : memref<10000x128xf32, #tpu.memory_space<hbm>>) dst(%dma_wait3A_137 : memref<40x128xf32, #tpu.memory_space<vmem>>)
    %run_scoped3A_143 = arith.constant 124 : i32
    "tpu.region"() ({
      %run_scoped3A_149 = tpu.sem_alloc : memref<!tpu.dma_semaphore, #tpu.memory_space<semaphore_mem>>
      %dma_start3A_150 = arith.constant 0 : i32
      %dma_start3A_151 = tpu.memref_slice %arg8[%run_scoped3A_143, %dma_start3A_150] : memref<125x80xi32, #tpu.memory_space<vmem>> -> memref<1x80xi32, #tpu.memory_space<vmem>>
      %dma_start3A_152 = tpu.memref_squeeze %dma_start3A_151 : memref<1x80xi32, #tpu.memory_space<vmem>> -> memref<80xi32, #tpu.memory_space<vmem>>
      %dma_start3A_153 = arith.constant 0 : i32
      %dma_start3A_154 = arith.constant 0 : i32
      %dma_start3A_155 = tpu.memref_slice %arg11[%dma_start3A_153, %dma_start3A_154] : memref<10240x128xf32, #tpu.memory_space<vmem_shared>> -> memref<10240x128xf32, #tpu.memory_space<vmem_shared>>
      tpu.enqueue_indirect_dma source(%arg9 : memref<80x128xf32, #tpu.memory_space<vmem>>) target(%dma_start3A_155 : memref<10240x128xf32, #tpu.memory_space<vmem_shared>>) offsets(%dma_start3A_152 : memref<80xi32, #tpu.memory_space<vmem>>) semaphore(%run_scoped3A_149 : memref<!tpu.dma_semaphore, #tpu.memory_space<semaphore_mem>>) {add = true}
      %dma_wait3A_156 = arith.constant 0 : i32
      %dma_wait3A_157 = tpu.memref_slice %arg8[%run_scoped3A_143, %dma_wait3A_156] : memref<125x80xi32, #tpu.memory_space<vmem>> -> memref<1x80xi32, #tpu.memory_space<vmem>>
      %dma_wait3A_158 = tpu.memref_squeeze %dma_wait3A_157 : memref<1x80xi32, #tpu.memory_space<vmem>> -> memref<80xi32, #tpu.memory_space<vmem>>
      %dma_wait3A_159 = arith.constant 0 : i32
      %dma_wait3A_160 = arith.constant 0 : i32
      %dma_wait3A_161 = tpu.memref_slice %arg11[%dma_wait3A_159, %dma_wait3A_160] : memref<10240x128xf32, #tpu.memory_space<vmem_shared>> -> memref<10240x128xf32, #tpu.memory_space<vmem_shared>>
      tpu.wait_indirect_dma semaphore(%run_scoped3A_149 : memref<!tpu.dma_semaphore, #tpu.memory_space<semaphore_mem>>) src(%arg9 : memref<80x128xf32, #tpu.memory_space<vmem>>) dst(%dma_wait3A_161 : memref<10240x128xf32, #tpu.memory_space<vmem_shared>>)
      tpu.yield
    }) : () -> ()
    %barrier3A_144 = arith.constant 0 : index
    tpu.barrier barrier_id(%barrier3A_144)
    %mul3A_145 = arith.constant 640 : i32
    %mul3A_146 = arith.muli %arg1, %mul3A_145 : i32
    %mul3A_147 = arith.constant 640 : i32
    %mul3A_148 = arith.muli %arg1, %mul3A_147 : i32
    "tpu.region"() ({
      %run_scoped3A_149 = tpu.sem_alloc : memref<!tpu.dma_semaphore, #tpu.memory_space<semaphore_mem>>
      %dma_start3A_150 = arith.constant 0 : i32
      %dma_start3A_151 = tpu.memref_slice %arg6[%arg0, %mul3A_148, %dma_start3A_150] : memref<2x10240x128xf32, #tpu.memory_space<hbm>> -> memref<1x640x128xf32, #tpu.memory_space<hbm>>
      %dma_start3A_152 = tpu.memref_squeeze %dma_start3A_151 : memref<1x640x128xf32, #tpu.memory_space<hbm>> -> memref<640x128xf32, #tpu.memory_space<hbm>>
      %dma_start3A_153 = arith.constant 0 : i32
      %dma_start3A_154 = tpu.memref_slice %arg11[%mul3A_146, %dma_start3A_153] : memref<10240x128xf32, #tpu.memory_space<vmem_shared>> -> memref<640x128xf32, #tpu.memory_space<vmem_shared>>
      tpu.enqueue_dma source(%dma_start3A_154 : memref<640x128xf32, #tpu.memory_space<vmem_shared>>) target(%dma_start3A_152 : memref<640x128xf32, #tpu.memory_space<hbm>>) target_semaphore(%run_scoped3A_149 : memref<!tpu.dma_semaphore, #tpu.memory_space<semaphore_mem>>)
      %dma_wait3A_155 = arith.constant 0 : i32
      %dma_wait3A_156 = tpu.memref_slice %arg6[%arg0, %mul3A_148, %dma_wait3A_155] : memref<2x10240x128xf32, #tpu.memory_space<hbm>> -> memref<1x640x128xf32, #tpu.memory_space<hbm>>
      %dma_wait3A_157 = tpu.memref_squeeze %dma_wait3A_156 : memref<1x640x128xf32, #tpu.memory_space<hbm>> -> memref<640x128xf32, #tpu.memory_space<hbm>>
      %dma_wait3A_158 = arith.constant 0 : i32
      %dma_wait3A_159 = tpu.memref_slice %arg11[%mul3A_146, %dma_wait3A_158] : memref<10240x128xf32, #tpu.memory_space<vmem_shared>> -> memref<640x128xf32, #tpu.memory_space<vmem_shared>>
      tpu.wait_dma2 semaphore(%run_scoped3A_149 : memref<!tpu.dma_semaphore, #tpu.memory_space<semaphore_mem>>) src(%dma_wait3A_159 : memref<640x128xf32, #tpu.memory_space<vmem_shared>>) dst(%dma_wait3A_157 : memref<640x128xf32, #tpu.memory_space<hbm>>)
      tpu.yield
    }) : () -> ()
    return
  }
}

#map = affine_map<(d0, d1) -> (0, 0, 0)>
#map1 = affine_map<(d0, d1) -> (0)>
module attributes {stable_mosaic.version = 14 : i64} {
  func.func @_sc_degrees(%arg0: i32, %arg1: i32, %arg2: memref<4000x1x80xi32, #tpu.memory_space<hbm>>, %arg3: memref<4000x1x80xi32, #tpu.memory_space<hbm>>, %arg4: memref<10000xf32, #tpu.memory_space<hbm>>, %arg5: memref<4x1x10000xf32, #tpu.memory_space<hbm>>, %arg6: memref<80xf32, #tpu.memory_space<vmem>>, %arg7: memref<125x80xi32, #tpu.memory_space<vmem>>, %arg8: memref<125x80xi32, #tpu.memory_space<vmem>>, %arg9: memref<10000xf32, #tpu.memory_space<vmem_shared>>, %arg10: memref<10000xf32, #tpu.memory_space<vmem_shared>>, %arg11: memref<!tpu.dma_semaphore, #tpu.memory_space<semaphore_mem>>, %arg12: memref<!tpu.dma_semaphore, #tpu.memory_space<semaphore_mem>>, %arg13: memref<!tpu.dma_semaphore, #tpu.memory_space<semaphore_mem>>) attributes {dimension_semantics = [#tpu.dimension_semantics<core_parallel>, #tpu.dimension_semantics<subcore_parallel>], iteration_bounds = array<i64: 2, 16>, scalar_prefetch = 0 : i64, scratch_operands = 8 : i64, tpu.core_type = #tpu.core_type<sc_vector_subcore>, window_params = [{transform_indices = #map}, {transform_indices = #map}, {transform_indices = #map1}, {transform_indices = #map}]} {
    %mul3A = arith.constant 2 : i32
    %mul3A_0 = arith.muli %arg1, %mul3A : i32
    %add3A = arith.addi %mul3A_0, %arg0 : i32
    %mul3A_1 = arith.constant 125 : i32
    %mul3A_2 = arith.muli %add3A, %mul3A_1 : i32
    %dma_start3A = arith.constant 0 : i32
    %dma_start3A_3 = arith.constant 0 : i32
    %dma_start3A_4 = tpu.memref_slice %arg2[%mul3A_2, %dma_start3A, %dma_start3A_3] : memref<4000x1x80xi32, #tpu.memory_space<hbm>> -> memref<125x1x80xi32, #tpu.memory_space<hbm>>
    %dma_start3A_5 = tpu.memref_squeeze %dma_start3A_4 : memref<125x1x80xi32, #tpu.memory_space<hbm>> -> memref<125x80xi32, #tpu.memory_space<hbm>>
    %dma_start3A_6 = arith.constant 0 : i32
    %dma_start3A_7 = tpu.memref_slice %arg2[%mul3A_2, %dma_start3A, %dma_start3A_6] : memref<4000x1x80xi32, #tpu.memory_space<hbm>> -> memref<125x1x80xi32, #tpu.memory_space<hbm>>
    %dma_start3A_8 = tpu.memref_squeeze %dma_start3A_7 : memref<125x1x80xi32, #tpu.memory_space<hbm>> -> memref<125x80xi32, #tpu.memory_space<hbm>>
    tpu.enqueue_dma source(%dma_start3A_8 : memref<125x80xi32, #tpu.memory_space<hbm>>) target(%arg7 : memref<125x80xi32, #tpu.memory_space<vmem>>) target_semaphore(%arg11 : memref<!tpu.dma_semaphore, #tpu.memory_space<semaphore_mem>>)
    %mul3A_9 = arith.constant 125 : i32
    %mul3A_10 = arith.muli %add3A, %mul3A_9 : i32
    %dma_start3A_11 = arith.constant 0 : i32
    %dma_start3A_12 = arith.constant 0 : i32
    %dma_start3A_13 = tpu.memref_slice %arg3[%mul3A_10, %dma_start3A_11, %dma_start3A_12] : memref<4000x1x80xi32, #tpu.memory_space<hbm>> -> memref<125x1x80xi32, #tpu.memory_space<hbm>>
    %dma_start3A_14 = tpu.memref_squeeze %dma_start3A_13 : memref<125x1x80xi32, #tpu.memory_space<hbm>> -> memref<125x80xi32, #tpu.memory_space<hbm>>
    %dma_start3A_15 = arith.constant 0 : i32
    %dma_start3A_16 = tpu.memref_slice %arg3[%mul3A_10, %dma_start3A_11, %dma_start3A_15] : memref<4000x1x80xi32, #tpu.memory_space<hbm>> -> memref<125x1x80xi32, #tpu.memory_space<hbm>>
    %dma_start3A_17 = tpu.memref_squeeze %dma_start3A_16 : memref<125x1x80xi32, #tpu.memory_space<hbm>> -> memref<125x80xi32, #tpu.memory_space<hbm>>
    tpu.enqueue_dma source(%dma_start3A_17 : memref<125x80xi32, #tpu.memory_space<hbm>>) target(%arg8 : memref<125x80xi32, #tpu.memory_space<vmem>>) target_semaphore(%arg12 : memref<!tpu.dma_semaphore, #tpu.memory_space<semaphore_mem>>)
    %eq3A = arith.constant 0 : i32
    %eq3A_18 = arith.cmpi eq, %arg1, %eq3A : i32
    %convert_element_type3A = arith.extui %eq3A_18 : i1 to i32
    %cond3A = arith.constant 0 : i32
    %cond3A_19 = arith.cmpi ne, %convert_element_type3A, %cond3A : i32
    scf.if %cond3A_19 {
      tpu.enqueue_dma source(%arg4 : memref<10000xf32, #tpu.memory_space<hbm>>) target(%arg9 : memref<10000xf32, #tpu.memory_space<vmem_shared>>) target_semaphore(%arg13 : memref<!tpu.dma_semaphore, #tpu.memory_space<semaphore_mem>>)
    } else {
    }
    %eq3A_20 = arith.constant 1 : i32
    %eq3A_21 = arith.cmpi eq, %arg1, %eq3A_20 : i32
    %convert_element_type3A_22 = arith.extui %eq3A_21 : i1 to i32
    %cond3A_23 = arith.constant 0 : i32
    %cond3A_24 = arith.cmpi ne, %convert_element_type3A_22, %cond3A_23 : i32
    scf.if %cond3A_24 {
      tpu.enqueue_dma source(%arg4 : memref<10000xf32, #tpu.memory_space<hbm>>) target(%arg10 : memref<10000xf32, #tpu.memory_space<vmem_shared>>) target_semaphore(%arg13 : memref<!tpu.dma_semaphore, #tpu.memory_space<semaphore_mem>>)
    } else {
    }
    %broadcast_in_dim3A = arith.constant 1.000000e+00 : f32
    %broadcast_in_dim3A_25 = vector.broadcast %broadcast_in_dim3A : f32 to vector<16xf32>
    %swap3A = arith.constant 0 : index
    %swap3A_26 = tpu.vector_load %arg6[%swap3A] {strides = array<i32>} : memref<80xf32, #tpu.memory_space<vmem>>, vector<16xf32>,
    %swap3A_27 = vector.shape_cast %swap3A_26 : vector<16xf32> to vector<16xf32>
    %swap3A_28 = vector.shape_cast %broadcast_in_dim3A_25 : vector<16xf32> to vector<16xf32>
    tpu.vector_store %arg6[%swap3A], %swap3A_28 {strides = array<i32>} : memref<80xf32, #tpu.memory_space<vmem>>, vector<16xf32>,
    %broadcast_in_dim3A_29 = arith.constant 1.000000e+00 : f32
    %broadcast_in_dim3A_30 = vector.broadcast %broadcast_in_dim3A_29 : f32 to vector<16xf32>
    %swap3A_31 = arith.constant 16 : index
    %swap3A_32 = tpu.vector_load %arg6[%swap3A_31] {strides = array<i32>} : memref<80xf32, #tpu.memory_space<vmem>>, vector<16xf32>,
    %swap3A_33 = vector.shape_cast %swap3A_32 : vector<16xf32> to vector<16xf32>
    %swap3A_34 = vector.shape_cast %broadcast_in_dim3A_30 : vector<16xf32> to vector<16xf32>
    tpu.vector_store %arg6[%swap3A_31], %swap3A_34 {strides = array<i32>} : memref<80xf32, #tpu.memory_space<vmem>>, vector<16xf32>,
    %broadcast_in_dim3A_35 = arith.constant 1.000000e+00 : f32
    %broadcast_in_dim3A_36 = vector.broadcast %broadcast_in_dim3A_35 : f32 to vector<16xf32>
    %swap3A_37 = arith.constant 32 : index
    %swap3A_38 = tpu.vector_load %arg6[%swap3A_37] {strides = array<i32>} : memref<80xf32, #tpu.memory_space<vmem>>, vector<16xf32>,
    %swap3A_39 = vector.shape_cast %swap3A_38 : vector<16xf32> to vector<16xf32>
    %swap3A_40 = vector.shape_cast %broadcast_in_dim3A_36 : vector<16xf32> to vector<16xf32>
    tpu.vector_store %arg6[%swap3A_37], %swap3A_40 {strides = array<i32>} : memref<80xf32, #tpu.memory_space<vmem>>, vector<16xf32>,
    %broadcast_in_dim3A_41 = arith.constant 1.000000e+00 : f32
    %broadcast_in_dim3A_42 = vector.broadcast %broadcast_in_dim3A_41 : f32 to vector<16xf32>
    %swap3A_43 = arith.constant 48 : index
    %swap3A_44 = tpu.vector_load %arg6[%swap3A_43] {strides = array<i32>} : memref<80xf32, #tpu.memory_space<vmem>>, vector<16xf32>,
    %swap3A_45 = vector.shape_cast %swap3A_44 : vector<16xf32> to vector<16xf32>
    %swap3A_46 = vector.shape_cast %broadcast_in_dim3A_42 : vector<16xf32> to vector<16xf32>
    tpu.vector_store %arg6[%swap3A_43], %swap3A_46 {strides = array<i32>} : memref<80xf32, #tpu.memory_space<vmem>>, vector<16xf32>,
    %broadcast_in_dim3A_47 = arith.constant 1.000000e+00 : f32
    %broadcast_in_dim3A_48 = vector.broadcast %broadcast_in_dim3A_47 : f32 to vector<16xf32>
    %swap3A_49 = arith.constant 64 : index
    %swap3A_50 = tpu.vector_load %arg6[%swap3A_49] {strides = array<i32>} : memref<80xf32, #tpu.memory_space<vmem>>, vector<16xf32>,
    %swap3A_51 = vector.shape_cast %swap3A_50 : vector<16xf32> to vector<16xf32>
    %swap3A_52 = vector.shape_cast %broadcast_in_dim3A_48 : vector<16xf32> to vector<16xf32>
    tpu.vector_store %arg6[%swap3A_49], %swap3A_52 {strides = array<i32>} : memref<80xf32, #tpu.memory_space<vmem>>, vector<16xf32>,
    %mul3A_53 = arith.constant 125 : i32
    %mul3A_54 = arith.muli %add3A, %mul3A_53 : i32
    %dma_wait3A = arith.constant 0 : i32
    %dma_wait3A_55 = arith.constant 0 : i32
    %dma_wait3A_56 = tpu.memref_slice %arg2[%mul3A_54, %dma_wait3A, %dma_wait3A_55] : memref<4000x1x80xi32, #tpu.memory_space<hbm>> -> memref<125x1x80xi32, #tpu.memory_space<hbm>>
    %dma_wait3A_57 = tpu.memref_squeeze %dma_wait3A_56 : memref<125x1x80xi32, #tpu.memory_space<hbm>> -> memref<125x80xi32, #tpu.memory_space<hbm>>
    %dma_wait3A_58 = arith.constant 0 : i32
    %dma_wait3A_59 = tpu.memref_slice %arg2[%mul3A_54, %dma_wait3A, %dma_wait3A_58] : memref<4000x1x80xi32, #tpu.memory_space<hbm>> -> memref<125x1x80xi32, #tpu.memory_space<hbm>>
    %dma_wait3A_60 = tpu.memref_squeeze %dma_wait3A_59 : memref<125x1x80xi32, #tpu.memory_space<hbm>> -> memref<125x80xi32, #tpu.memory_space<hbm>>
    tpu.wait_dma2 semaphore(%arg11 : memref<!tpu.dma_semaphore, #tpu.memory_space<semaphore_mem>>) src(%dma_wait3A_60 : memref<125x80xi32, #tpu.memory_space<hbm>>) dst(%arg7 : memref<125x80xi32, #tpu.memory_space<vmem>>)
    %mul3A_61 = arith.constant 125 : i32
    %mul3A_62 = arith.muli %add3A, %mul3A_61 : i32
    %dma_wait3A_63 = arith.constant 0 : i32
    %dma_wait3A_64 = arith.constant 0 : i32
    %dma_wait3A_65 = tpu.memref_slice %arg3[%mul3A_62, %dma_wait3A_63, %dma_wait3A_64] : memref<4000x1x80xi32, #tpu.memory_space<hbm>> -> memref<125x1x80xi32, #tpu.memory_space<hbm>>
    %dma_wait3A_66 = tpu.memref_squeeze %dma_wait3A_65 : memref<125x1x80xi32, #tpu.memory_space<hbm>> -> memref<125x80xi32, #tpu.memory_space<hbm>>
    %dma_wait3A_67 = arith.constant 0 : i32
    %dma_wait3A_68 = tpu.memref_slice %arg3[%mul3A_62, %dma_wait3A_63, %dma_wait3A_67] : memref<4000x1x80xi32, #tpu.memory_space<hbm>> -> memref<125x1x80xi32, #tpu.memory_space<hbm>>
    %dma_wait3A_69 = tpu.memref_squeeze %dma_wait3A_68 : memref<125x1x80xi32, #tpu.memory_space<hbm>> -> memref<125x80xi32, #tpu.memory_space<hbm>>
    tpu.wait_dma2 semaphore(%arg12 : memref<!tpu.dma_semaphore, #tpu.memory_space<semaphore_mem>>) src(%dma_wait3A_69 : memref<125x80xi32, #tpu.memory_space<hbm>>) dst(%arg8 : memref<125x80xi32, #tpu.memory_space<vmem>>)
    %eq3A_70 = arith.constant 0 : i32
    %eq3A_71 = arith.cmpi eq, %arg1, %eq3A_70 : i32
    %convert_element_type3A_72 = arith.extui %eq3A_71 : i1 to i32
    %cond3A_73 = arith.constant 0 : i32
    %cond3A_74 = arith.cmpi ne, %convert_element_type3A_72, %cond3A_73 : i32
    scf.if %cond3A_74 {
      tpu.wait_dma2 semaphore(%arg13 : memref<!tpu.dma_semaphore, #tpu.memory_space<semaphore_mem>>) src(%arg4 : memref<10000xf32, #tpu.memory_space<hbm>>) dst(%arg9 : memref<10000xf32, #tpu.memory_space<vmem_shared>>)
    } else {
    }
    %eq3A_75 = arith.constant 1 : i32
    %eq3A_76 = arith.cmpi eq, %arg1, %eq3A_75 : i32
    %convert_element_type3A_77 = arith.extui %eq3A_76 : i1 to i32
    %cond3A_78 = arith.constant 0 : i32
    %cond3A_79 = arith.cmpi ne, %convert_element_type3A_77, %cond3A_78 : i32
    scf.if %cond3A_79 {
      tpu.wait_dma2 semaphore(%arg13 : memref<!tpu.dma_semaphore, #tpu.memory_space<semaphore_mem>>) src(%arg4 : memref<10000xf32, #tpu.memory_space<hbm>>) dst(%arg10 : memref<10000xf32, #tpu.memory_space<vmem_shared>>)
    } else {
    }
    %barrier3A = arith.constant 0 : index
    tpu.barrier barrier_id(%barrier3A)
    %dma_start3A_80 = arith.constant 0 : i32
    %dma_start3A_81 = arith.constant 0 : i32
    %dma_start3A_82 = tpu.memref_slice %arg7[%dma_start3A_80, %dma_start3A_81] : memref<125x80xi32, #tpu.memory_space<vmem>> -> memref<1x80xi32, #tpu.memory_space<vmem>>
    %dma_start3A_83 = tpu.memref_squeeze %dma_start3A_82 : memref<1x80xi32, #tpu.memory_space<vmem>> -> memref<80xi32, #tpu.memory_space<vmem>>
    %dma_start3A_84 = arith.constant 0 : i32
    %dma_start3A_85 = tpu.memref_slice %arg9[%dma_start3A_84] : memref<10000xf32, #tpu.memory_space<vmem_shared>> -> memref<10000xf32, #tpu.memory_space<vmem_shared>>
    tpu.enqueue_indirect_dma source(%arg6 : memref<80xf32, #tpu.memory_space<vmem>>) target(%dma_start3A_85 : memref<10000xf32, #tpu.memory_space<vmem_shared>>) offsets(%dma_start3A_83 : memref<80xi32, #tpu.memory_space<vmem>>) semaphore(%arg11 : memref<!tpu.dma_semaphore, #tpu.memory_space<semaphore_mem>>) {add = true}
    %dma_start3A_86 = arith.constant 0 : i32
    %dma_start3A_87 = arith.constant 0 : i32
    %dma_start3A_88 = tpu.memref_slice %arg8[%dma_start3A_86, %dma_start3A_87] : memref<125x80xi32, #tpu.memory_space<vmem>> -> memref<1x80xi32, #tpu.memory_space<vmem>>
    %dma_start3A_89 = tpu.memref_squeeze %dma_start3A_88 : memref<1x80xi32, #tpu.memory_space<vmem>> -> memref<80xi32, #tpu.memory_space<vmem>>
    %dma_start3A_90 = arith.constant 0 : i32
    %dma_start3A_91 = tpu.memref_slice %arg10[%dma_start3A_90] : memref<10000xf32, #tpu.memory_space<vmem_shared>> -> memref<10000xf32, #tpu.memory_space<vmem_shared>>
    tpu.enqueue_indirect_dma source(%arg6 : memref<80xf32, #tpu.memory_space<vmem>>) target(%dma_start3A_91 : memref<10000xf32, #tpu.memory_space<vmem_shared>>) offsets(%dma_start3A_89 : memref<80xi32, #tpu.memory_space<vmem>>) semaphore(%arg12 : memref<!tpu.dma_semaphore, #tpu.memory_space<semaphore_mem>>) {add = true}
    %dma_start3A_92 = arith.constant 1 : i32
    %dma_start3A_93 = arith.constant 0 : i32
    %dma_start3A_94 = tpu.memref_slice %arg7[%dma_start3A_92, %dma_start3A_93] : memref<125x80xi32, #tpu.memory_space<vmem>> -> memref<1x80xi32, #tpu.memory_space<vmem>>
    %dma_start3A_95 = tpu.memref_squeeze %dma_start3A_94 : memref<1x80xi32, #tpu.memory_space<vmem>> -> memref<80xi32, #tpu.memory_space<vmem>>
    %dma_start3A_96 = arith.constant 0 : i32
    %dma_start3A_97 = tpu.memref_slice %arg9[%dma_start3A_96] : memref<10000xf32, #tpu.memory_space<vmem_shared>> -> memref<10000xf32, #tpu.memory_space<vmem_shared>>
    tpu.enqueue_indirect_dma source(%arg6 : memref<80xf32, #tpu.memory_space<vmem>>) target(%dma_start3A_97 : memref<10000xf32, #tpu.memory_space<vmem_shared>>) offsets(%dma_start3A_95 : memref<80xi32, #tpu.memory_space<vmem>>) semaphore(%arg11 : memref<!tpu.dma_semaphore, #tpu.memory_space<semaphore_mem>>) {add = true}
    %dma_start3A_98 = arith.constant 1 : i32
    %dma_start3A_99 = arith.constant 0 : i32
    %dma_start3A_100 = tpu.memref_slice %arg8[%dma_start3A_98, %dma_start3A_99] : memref<125x80xi32, #tpu.memory_space<vmem>> -> memref<1x80xi32, #tpu.memory_space<vmem>>
    %dma_start3A_101 = tpu.memref_squeeze %dma_start3A_100 : memref<1x80xi32, #tpu.memory_space<vmem>> -> memref<80xi32, #tpu.memory_space<vmem>>
    %dma_start3A_102 = arith.constant 0 : i32
    %dma_start3A_103 = tpu.memref_slice %arg10[%dma_start3A_102] : memref<10000xf32, #tpu.memory_space<vmem_shared>> -> memref<10000xf32, #tpu.memory_space<vmem_shared>>
    tpu.enqueue_indirect_dma source(%arg6 : memref<80xf32, #tpu.memory_space<vmem>>) target(%dma_start3A_103 : memref<10000xf32, #tpu.memory_space<vmem_shared>>) offsets(%dma_start3A_101 : memref<80xi32, #tpu.memory_space<vmem>>) semaphore(%arg12 : memref<!tpu.dma_semaphore, #tpu.memory_space<semaphore_mem>>) {add = true}
    %dma_start3A_104 = arith.constant 2 : i32
    %dma_start3A_105 = arith.constant 0 : i32
    %dma_start3A_106 = tpu.memref_slice %arg7[%dma_start3A_104, %dma_start3A_105] : memref<125x80xi32, #tpu.memory_space<vmem>> -> memref<1x80xi32, #tpu.memory_space<vmem>>
    %dma_start3A_107 = tpu.memref_squeeze %dma_start3A_106 : memref<1x80xi32, #tpu.memory_space<vmem>> -> memref<80xi32, #tpu.memory_space<vmem>>
    %dma_start3A_108 = arith.constant 0 : i32
    %dma_start3A_109 = tpu.memref_slice %arg9[%dma_start3A_108] : memref<10000xf32, #tpu.memory_space<vmem_shared>> -> memref<10000xf32, #tpu.memory_space<vmem_shared>>
    tpu.enqueue_indirect_dma source(%arg6 : memref<80xf32, #tpu.memory_space<vmem>>) target(%dma_start3A_109 : memref<10000xf32, #tpu.memory_space<vmem_shared>>) offsets(%dma_start3A_107 : memref<80xi32, #tpu.memory_space<vmem>>) semaphore(%arg11 : memref<!tpu.dma_semaphore, #tpu.memory_space<semaphore_mem>>) {add = true}
    %dma_start3A_110 = arith.constant 2 : i32
    %dma_start3A_111 = arith.constant 0 : i32
    %dma_start3A_112 = tpu.memref_slice %arg8[%dma_start3A_110, %dma_start3A_111] : memref<125x80xi32, #tpu.memory_space<vmem>> -> memref<1x80xi32, #tpu.memory_space<vmem>>
    %dma_start3A_113 = tpu.memref_squeeze %dma_start3A_112 : memref<1x80xi32, #tpu.memory_space<vmem>> -> memref<80xi32, #tpu.memory_space<vmem>>
    %dma_start3A_114 = arith.constant 0 : i32
    %dma_start3A_115 = tpu.memref_slice %arg10[%dma_start3A_114] : memref<10000xf32, #tpu.memory_space<vmem_shared>> -> memref<10000xf32, #tpu.memory_space<vmem_shared>>
    tpu.enqueue_indirect_dma source(%arg6 : memref<80xf32, #tpu.memory_space<vmem>>) target(%dma_start3A_115 : memref<10000xf32, #tpu.memory_space<vmem_shared>>) offsets(%dma_start3A_113 : memref<80xi32, #tpu.memory_space<vmem>>) semaphore(%arg12 : memref<!tpu.dma_semaphore, #tpu.memory_space<semaphore_mem>>) {add = true}
    %dma_start3A_116 = arith.constant 3 : i32
    %dma_start3A_117 = arith.constant 0 : i32
    %dma_start3A_118 = tpu.memref_slice %arg7[%dma_start3A_116, %dma_start3A_117] : memref<125x80xi32, #tpu.memory_space<vmem>> -> memref<1x80xi32, #tpu.memory_space<vmem>>
    %dma_start3A_119 = tpu.memref_squeeze %dma_start3A_118 : memref<1x80xi32, #tpu.memory_space<vmem>> -> memref<80xi32, #tpu.memory_space<vmem>>
    %dma_start3A_120 = arith.constant 0 : i32
    %dma_start3A_121 = tpu.memref_slice %arg9[%dma_start3A_120] : memref<10000xf32, #tpu.memory_space<vmem_shared>> -> memref<10000xf32, #tpu.memory_space<vmem_shared>>
    tpu.enqueue_indirect_dma source(%arg6 : memref<80xf32, #tpu.memory_space<vmem>>) target(%dma_start3A_121 : memref<10000xf32, #tpu.memory_space<vmem_shared>>) offsets(%dma_start3A_119 : memref<80xi32, #tpu.memory_space<vmem>>) semaphore(%arg11 : memref<!tpu.dma_semaphore, #tpu.memory_space<semaphore_mem>>) {add = true}
    %dma_start3A_122 = arith.constant 3 : i32
    %dma_start3A_123 = arith.constant 0 : i32
    %dma_start3A_124 = tpu.memref_slice %arg8[%dma_start3A_122, %dma_start3A_123] : memref<125x80xi32, #tpu.memory_space<vmem>> -> memref<1x80xi32, #tpu.memory_space<vmem>>
    %dma_start3A_125 = tpu.memref_squeeze %dma_start3A_124 : memref<1x80xi32, #tpu.memory_space<vmem>> -> memref<80xi32, #tpu.memory_space<vmem>>
    %dma_start3A_126 = arith.constant 0 : i32
    %dma_start3A_127 = tpu.memref_slice %arg10[%dma_start3A_126] : memref<10000xf32, #tpu.memory_space<vmem_shared>> -> memref<10000xf32, #tpu.memory_space<vmem_shared>>
    tpu.enqueue_indirect_dma source(%arg6 : memref<80xf32, #tpu.memory_space<vmem>>) target(%dma_start3A_127 : memref<10000xf32, #tpu.memory_space<vmem_shared>>) offsets(%dma_start3A_125 : memref<80xi32, #tpu.memory_space<vmem>>) semaphore(%arg12 : memref<!tpu.dma_semaphore, #tpu.memory_space<semaphore_mem>>) {add = true}
    %scan3A = arith.constant 0 : i32
    %scan3A_128 = arith.constant 0 : i32
    %scan3A_129 = arith.constant 121 : i32
    %scan3A_130 = arith.addi %scan3A_128, %scan3A_129 : i32
    %scan3A_131 = arith.constant 1 : i32
    scf.for %scan3A_192 = %scan3A_128 to %scan3A_130 step %scan3A_131  : i32 {
      %dma_wait3A_193 = arith.constant 0 : i32
      %dma_wait3A_194 = tpu.memref_slice %arg7[%scan3A_192, %dma_wait3A_193] : memref<125x80xi32, #tpu.memory_space<vmem>> -> memref<1x80xi32, #tpu.memory_space<vmem>>
      %dma_wait3A_195 = tpu.memref_squeeze %dma_wait3A_194 : memref<1x80xi32, #tpu.memory_space<vmem>> -> memref<80xi32, #tpu.memory_space<vmem>>
      %dma_wait3A_196 = arith.constant 0 : i32
      %dma_wait3A_197 = tpu.memref_slice %arg9[%dma_wait3A_196] : memref<10000xf32, #tpu.memory_space<vmem_shared>> -> memref<10000xf32, #tpu.memory_space<vmem_shared>>
      tpu.wait_indirect_dma semaphore(%arg11 : memref<!tpu.dma_semaphore, #tpu.memory_space<semaphore_mem>>) src(%arg6 : memref<80xf32, #tpu.memory_space<vmem>>) dst(%dma_wait3A_197 : memref<10000xf32, #tpu.memory_space<vmem_shared>>)
      %dma_wait3A_198 = arith.constant 0 : i32
      %dma_wait3A_199 = tpu.memref_slice %arg8[%scan3A_192, %dma_wait3A_198] : memref<125x80xi32, #tpu.memory_space<vmem>> -> memref<1x80xi32, #tpu.memory_space<vmem>>
      %dma_wait3A_200 = tpu.memref_squeeze %dma_wait3A_199 : memref<1x80xi32, #tpu.memory_space<vmem>> -> memref<80xi32, #tpu.memory_space<vmem>>
      %dma_wait3A_201 = arith.constant 0 : i32
      %dma_wait3A_202 = tpu.memref_slice %arg10[%dma_wait3A_201] : memref<10000xf32, #tpu.memory_space<vmem_shared>> -> memref<10000xf32, #tpu.memory_space<vmem_shared>>
      tpu.wait_indirect_dma semaphore(%arg12 : memref<!tpu.dma_semaphore, #tpu.memory_space<semaphore_mem>>) src(%arg6 : memref<80xf32, #tpu.memory_space<vmem>>) dst(%dma_wait3A_202 : memref<10000xf32, #tpu.memory_space<vmem_shared>>)
      %add3A_203 = arith.constant 4 : i32
      %add3A_204 = arith.addi %scan3A_192, %add3A_203 : i32
      %dma_start3A_205 = arith.constant 0 : i32
      %dma_start3A_206 = tpu.memref_slice %arg7[%add3A_204, %dma_start3A_205] : memref<125x80xi32, #tpu.memory_space<vmem>> -> memref<1x80xi32, #tpu.memory_space<vmem>>
      %dma_start3A_207 = tpu.memref_squeeze %dma_start3A_206 : memref<1x80xi32, #tpu.memory_space<vmem>> -> memref<80xi32, #tpu.memory_space<vmem>>
      %dma_start3A_208 = arith.constant 0 : i32
      %dma_start3A_209 = tpu.memref_slice %arg9[%dma_start3A_208] : memref<10000xf32, #tpu.memory_space<vmem_shared>> -> memref<10000xf32, #tpu.memory_space<vmem_shared>>
      tpu.enqueue_indirect_dma source(%arg6 : memref<80xf32, #tpu.memory_space<vmem>>) target(%dma_start3A_209 : memref<10000xf32, #tpu.memory_space<vmem_shared>>) offsets(%dma_start3A_207 : memref<80xi32, #tpu.memory_space<vmem>>) semaphore(%arg11 : memref<!tpu.dma_semaphore, #tpu.memory_space<semaphore_mem>>) {add = true}
      %dma_start3A_210 = arith.constant 0 : i32
      %dma_start3A_211 = tpu.memref_slice %arg8[%add3A_204, %dma_start3A_210] : memref<125x80xi32, #tpu.memory_space<vmem>> -> memref<1x80xi32, #tpu.memory_space<vmem>>
      %dma_start3A_212 = tpu.memref_squeeze %dma_start3A_211 : memref<1x80xi32, #tpu.memory_space<vmem>> -> memref<80xi32, #tpu.memory_space<vmem>>
      %dma_start3A_213 = arith.constant 0 : i32
      %dma_start3A_214 = tpu.memref_slice %arg10[%dma_start3A_213] : memref<10000xf32, #tpu.memory_space<vmem_shared>> -> memref<10000xf32, #tpu.memory_space<vmem_shared>>
      tpu.enqueue_indirect_dma source(%arg6 : memref<80xf32, #tpu.memory_space<vmem>>) target(%dma_start3A_214 : memref<10000xf32, #tpu.memory_space<vmem_shared>>) offsets(%dma_start3A_212 : memref<80xi32, #tpu.memory_space<vmem>>) semaphore(%arg12 : memref<!tpu.dma_semaphore, #tpu.memory_space<semaphore_mem>>) {add = true}
    }
    %scan3A_132 = arith.constant 121 : i32
    %dma_wait3A_133 = arith.constant 121 : i32
    %dma_wait3A_134 = arith.constant 0 : i32
    %dma_wait3A_135 = tpu.memref_slice %arg7[%dma_wait3A_133, %dma_wait3A_134] : memref<125x80xi32, #tpu.memory_space<vmem>> -> memref<1x80xi32, #tpu.memory_space<vmem>>
    %dma_wait3A_136 = tpu.memref_squeeze %dma_wait3A_135 : memref<1x80xi32, #tpu.memory_space<vmem>> -> memref<80xi32, #tpu.memory_space<vmem>>
    %dma_wait3A_137 = arith.constant 0 : i32
    %dma_wait3A_138 = tpu.memref_slice %arg9[%dma_wait3A_137] : memref<10000xf32, #tpu.memory_space<vmem_shared>> -> memref<10000xf32, #tpu.memory_space<vmem_shared>>
    tpu.wait_indirect_dma semaphore(%arg11 : memref<!tpu.dma_semaphore, #tpu.memory_space<semaphore_mem>>) src(%arg6 : memref<80xf32, #tpu.memory_space<vmem>>) dst(%dma_wait3A_138 : memref<10000xf32, #tpu.memory_space<vmem_shared>>)
    %dma_wait3A_139 = arith.constant 121 : i32
    %dma_wait3A_140 = arith.constant 0 : i32
    %dma_wait3A_141 = tpu.memref_slice %arg8[%dma_wait3A_139, %dma_wait3A_140] : memref<125x80xi32, #tpu.memory_space<vmem>> -> memref<1x80xi32, #tpu.memory_space<vmem>>
    %dma_wait3A_142 = tpu.memref_squeeze %dma_wait3A_141 : memref<1x80xi32, #tpu.memory_space<vmem>> -> memref<80xi32, #tpu.memory_space<vmem>>
    %dma_wait3A_143 = arith.constant 0 : i32
    %dma_wait3A_144 = tpu.memref_slice %arg10[%dma_wait3A_143] : memref<10000xf32, #tpu.memory_space<vmem_shared>> -> memref<10000xf32, #tpu.memory_space<vmem_shared>>
    tpu.wait_indirect_dma semaphore(%arg12 : memref<!tpu.dma_semaphore, #tpu.memory_space<semaphore_mem>>) src(%arg6 : memref<80xf32, #tpu.memory_space<vmem>>) dst(%dma_wait3A_144 : memref<10000xf32, #tpu.memory_space<vmem_shared>>)
    %dma_wait3A_145 = arith.constant 122 : i32
    %dma_wait3A_146 = arith.constant 0 : i32
    %dma_wait3A_147 = tpu.memref_slice %arg7[%dma_wait3A_145, %dma_wait3A_146] : memref<125x80xi32, #tpu.memory_space<vmem>> -> memref<1x80xi32, #tpu.memory_space<vmem>>
    %dma_wait3A_148 = tpu.memref_squeeze %dma_wait3A_147 : memref<1x80xi32, #tpu.memory_space<vmem>> -> memref<80xi32, #tpu.memory_space<vmem>>
    %dma_wait3A_149 = arith.constant 0 : i32
    %dma_wait3A_150 = tpu.memref_slice %arg9[%dma_wait3A_149] : memref<10000xf32, #tpu.memory_space<vmem_shared>> -> memref<10000xf32, #tpu.memory_space<vmem_shared>>
    tpu.wait_indirect_dma semaphore(%arg11 : memref<!tpu.dma_semaphore, #tpu.memory_space<semaphore_mem>>) src(%arg6 : memref<80xf32, #tpu.memory_space<vmem>>) dst(%dma_wait3A_150 : memref<10000xf32, #tpu.memory_space<vmem_shared>>)
    %dma_wait3A_151 = arith.constant 122 : i32
    %dma_wait3A_152 = arith.constant 0 : i32
    %dma_wait3A_153 = tpu.memref_slice %arg8[%dma_wait3A_151, %dma_wait3A_152] : memref<125x80xi32, #tpu.memory_space<vmem>> -> memref<1x80xi32, #tpu.memory_space<vmem>>
    %dma_wait3A_154 = tpu.memref_squeeze %dma_wait3A_153 : memref<1x80xi32, #tpu.memory_space<vmem>> -> memref<80xi32, #tpu.memory_space<vmem>>
    %dma_wait3A_155 = arith.constant 0 : i32
    %dma_wait3A_156 = tpu.memref_slice %arg10[%dma_wait3A_155] : memref<10000xf32, #tpu.memory_space<vmem_shared>> -> memref<10000xf32, #tpu.memory_space<vmem_shared>>
    tpu.wait_indirect_dma semaphore(%arg12 : memref<!tpu.dma_semaphore, #tpu.memory_space<semaphore_mem>>) src(%arg6 : memref<80xf32, #tpu.memory_space<vmem>>) dst(%dma_wait3A_156 : memref<10000xf32, #tpu.memory_space<vmem_shared>>)
    %dma_wait3A_157 = arith.constant 123 : i32
    %dma_wait3A_158 = arith.constant 0 : i32
    %dma_wait3A_159 = tpu.memref_slice %arg7[%dma_wait3A_157, %dma_wait3A_158] : memref<125x80xi32, #tpu.memory_space<vmem>> -> memref<1x80xi32, #tpu.memory_space<vmem>>
    %dma_wait3A_160 = tpu.memref_squeeze %dma_wait3A_159 : memref<1x80xi32, #tpu.memory_space<vmem>> -> memref<80xi32, #tpu.memory_space<vmem>>
    %dma_wait3A_161 = arith.constant 0 : i32
    %dma_wait3A_162 = tpu.memref_slice %arg9[%dma_wait3A_161] : memref<10000xf32, #tpu.memory_space<vmem_shared>> -> memref<10000xf32, #tpu.memory_space<vmem_shared>>
    tpu.wait_indirect_dma semaphore(%arg11 : memref<!tpu.dma_semaphore, #tpu.memory_space<semaphore_mem>>) src(%arg6 : memref<80xf32, #tpu.memory_space<vmem>>) dst(%dma_wait3A_162 : memref<10000xf32, #tpu.memory_space<vmem_shared>>)
    %dma_wait3A_163 = arith.constant 123 : i32
    %dma_wait3A_164 = arith.constant 0 : i32
    %dma_wait3A_165 = tpu.memref_slice %arg8[%dma_wait3A_163, %dma_wait3A_164] : memref<125x80xi32, #tpu.memory_space<vmem>> -> memref<1x80xi32, #tpu.memory_space<vmem>>
    %dma_wait3A_166 = tpu.memref_squeeze %dma_wait3A_165 : memref<1x80xi32, #tpu.memory_space<vmem>> -> memref<80xi32, #tpu.memory_space<vmem>>
    %dma_wait3A_167 = arith.constant 0 : i32
    %dma_wait3A_168 = tpu.memref_slice %arg10[%dma_wait3A_167] : memref<10000xf32, #tpu.memory_space<vmem_shared>> -> memref<10000xf32, #tpu.memory_space<vmem_shared>>
    tpu.wait_indirect_dma semaphore(%arg12 : memref<!tpu.dma_semaphore, #tpu.memory_space<semaphore_mem>>) src(%arg6 : memref<80xf32, #tpu.memory_space<vmem>>) dst(%dma_wait3A_168 : memref<10000xf32, #tpu.memory_space<vmem_shared>>)
    %dma_wait3A_169 = arith.constant 124 : i32
    %dma_wait3A_170 = arith.constant 0 : i32
    %dma_wait3A_171 = tpu.memref_slice %arg7[%dma_wait3A_169, %dma_wait3A_170] : memref<125x80xi32, #tpu.memory_space<vmem>> -> memref<1x80xi32, #tpu.memory_space<vmem>>
    %dma_wait3A_172 = tpu.memref_squeeze %dma_wait3A_171 : memref<1x80xi32, #tpu.memory_space<vmem>> -> memref<80xi32, #tpu.memory_space<vmem>>
    %dma_wait3A_173 = arith.constant 0 : i32
    %dma_wait3A_174 = tpu.memref_slice %arg9[%dma_wait3A_173] : memref<10000xf32, #tpu.memory_space<vmem_shared>> -> memref<10000xf32, #tpu.memory_space<vmem_shared>>
    tpu.wait_indirect_dma semaphore(%arg11 : memref<!tpu.dma_semaphore, #tpu.memory_space<semaphore_mem>>) src(%arg6 : memref<80xf32, #tpu.memory_space<vmem>>) dst(%dma_wait3A_174 : memref<10000xf32, #tpu.memory_space<vmem_shared>>)
    %dma_wait3A_175 = arith.constant 124 : i32
    %dma_wait3A_176 = arith.constant 0 : i32
    %dma_wait3A_177 = tpu.memref_slice %arg8[%dma_wait3A_175, %dma_wait3A_176] : memref<125x80xi32, #tpu.memory_space<vmem>> -> memref<1x80xi32, #tpu.memory_space<vmem>>
    %dma_wait3A_178 = tpu.memref_squeeze %dma_wait3A_177 : memref<1x80xi32, #tpu.memory_space<vmem>> -> memref<80xi32, #tpu.memory_space<vmem>>
    %dma_wait3A_179 = arith.constant 0 : i32
    %dma_wait3A_180 = tpu.memref_slice %arg10[%dma_wait3A_179] : memref<10000xf32, #tpu.memory_space<vmem_shared>> -> memref<10000xf32, #tpu.memory_space<vmem_shared>>
    tpu.wait_indirect_dma semaphore(%arg12 : memref<!tpu.dma_semaphore, #tpu.memory_space<semaphore_mem>>) src(%arg6 : memref<80xf32, #tpu.memory_space<vmem>>) dst(%dma_wait3A_180 : memref<10000xf32, #tpu.memory_space<vmem_shared>>)
    %barrier3A_181 = arith.constant 0 : index
    tpu.barrier barrier_id(%barrier3A_181)
    %eq3A_182 = arith.constant 0 : i32
    %eq3A_183 = arith.cmpi eq, %arg1, %eq3A_182 : i32
    %convert_element_type3A_184 = arith.extui %eq3A_183 : i1 to i32
    %cond3A_185 = arith.constant 0 : i32
    %cond3A_186 = arith.cmpi ne, %convert_element_type3A_184, %cond3A_185 : i32
    scf.if %cond3A_186 {
      %mul3A_192 = arith.constant 2 : i32
      %mul3A_193 = arith.muli %mul3A_192, %arg0 : i32
      %run_scoped3A = arith.constant 0 : i32
      "tpu.region"() ({
        %run_scoped3A_194 = tpu.sem_alloc : memref<!tpu.dma_semaphore, #tpu.memory_space<semaphore_mem>>
        %dma_start3A_195 = arith.constant 0 : i32
        %dma_start3A_196 = tpu.memref_slice %arg5[%mul3A_193, %run_scoped3A, %dma_start3A_195] : memref<4x1x10000xf32, #tpu.memory_space<hbm>> -> memref<1x1x10000xf32, #tpu.memory_space<hbm>>
        %dma_start3A_197 = tpu.memref_squeeze %dma_start3A_196 : memref<1x1x10000xf32, #tpu.memory_space<hbm>> -> memref<10000xf32, #tpu.memory_space<hbm>>
        tpu.enqueue_dma source(%arg9 : memref<10000xf32, #tpu.memory_space<vmem_shared>>) target(%dma_start3A_197 : memref<10000xf32, #tpu.memory_space<hbm>>) target_semaphore(%run_scoped3A_194 : memref<!tpu.dma_semaphore, #tpu.memory_space<semaphore_mem>>)
        %dma_wait3A_198 = arith.constant 0 : i32
        %dma_wait3A_199 = tpu.memref_slice %arg5[%mul3A_193, %run_scoped3A, %dma_wait3A_198] : memref<4x1x10000xf32, #tpu.memory_space<hbm>> -> memref<1x1x10000xf32, #tpu.memory_space<hbm>>
        %dma_wait3A_200 = tpu.memref_squeeze %dma_wait3A_199 : memref<1x1x10000xf32, #tpu.memory_space<hbm>> -> memref<10000xf32, #tpu.memory_space<hbm>>
        tpu.wait_dma2 semaphore(%run_scoped3A_194 : memref<!tpu.dma_semaphore, #tpu.memory_space<semaphore_mem>>) src(%arg9 : memref<10000xf32, #tpu.memory_space<vmem_shared>>) dst(%dma_wait3A_200 : memref<10000xf32, #tpu.memory_space<hbm>>)
        tpu.yield
      }) : () -> ()
    } else {
    }
    %eq3A_187 = arith.constant 1 : i32
    %eq3A_188 = arith.cmpi eq, %arg1, %eq3A_187 : i32
    %convert_element_type3A_189 = arith.extui %eq3A_188 : i1 to i32
    %cond3A_190 = arith.constant 0 : i32
    %cond3A_191 = arith.cmpi ne, %convert_element_type3A_189, %cond3A_190 : i32
    scf.if %cond3A_191 {
      %mul3A_192 = arith.constant 2 : i32
      %mul3A_193 = arith.muli %mul3A_192, %arg0 : i32
      %add3A_194 = arith.constant 1 : i32
      %add3A_195 = arith.addi %mul3A_193, %add3A_194 : i32
      %run_scoped3A = arith.constant 0 : i32
      "tpu.region"() ({
        %run_scoped3A_196 = tpu.sem_alloc : memref<!tpu.dma_semaphore, #tpu.memory_space<semaphore_mem>>
        %dma_start3A_197 = arith.constant 0 : i32
        %dma_start3A_198 = tpu.memref_slice %arg5[%add3A_195, %run_scoped3A, %dma_start3A_197] : memref<4x1x10000xf32, #tpu.memory_space<hbm>> -> memref<1x1x10000xf32, #tpu.memory_space<hbm>>
        %dma_start3A_199 = tpu.memref_squeeze %dma_start3A_198 : memref<1x1x10000xf32, #tpu.memory_space<hbm>> -> memref<10000xf32, #tpu.memory_space<hbm>>
        tpu.enqueue_dma source(%arg10 : memref<10000xf32, #tpu.memory_space<vmem_shared>>) target(%dma_start3A_199 : memref<10000xf32, #tpu.memory_space<hbm>>) target_semaphore(%run_scoped3A_196 : memref<!tpu.dma_semaphore, #tpu.memory_space<semaphore_mem>>)
        %dma_wait3A_200 = arith.constant 0 : i32
        %dma_wait3A_201 = tpu.memref_slice %arg5[%add3A_195, %run_scoped3A, %dma_wait3A_200] : memref<4x1x10000xf32, #tpu.memory_space<hbm>> -> memref<1x1x10000xf32, #tpu.memory_space<hbm>>
        %dma_wait3A_202 = tpu.memref_squeeze %dma_wait3A_201 : memref<1x1x10000xf32, #tpu.memory_space<hbm>> -> memref<10000xf32, #tpu.memory_space<hbm>>
        tpu.wait_dma2 semaphore(%run_scoped3A_196 : memref<!tpu.dma_semaphore, #tpu.memory_space<semaphore_mem>>) src(%arg10 : memref<10000xf32, #tpu.memory_space<vmem_shared>>) dst(%dma_wait3A_202 : memref<10000xf32, #tpu.memory_space<hbm>>)
        tpu.yield
      }) : () -> ()
    } else {
    }
    return
  }
}

#map = affine_map<(d0, d1) -> (0, 0)>
#map1 = affine_map<(d0, d1) -> (0)>
#map2 = affine_map<(d0, d1) -> (0, 0, 0)>
module attributes {stable_mosaic.version = 14 : i64} {
  func.func @_sc_aggregate(%arg0: i32, %arg1: i32, %arg2: memref<10000x128xf32, #tpu.memory_space<hbm>>, %arg3: memref<320000xi32, #tpu.memory_space<hbm>>, %arg4: memref<4000x1x80xi32, #tpu.memory_space<hbm>>, %arg5: memref<10240x128xf32, #tpu.memory_space<hbm>>, %arg6: memref<2x10240x128xf32, #tpu.memory_space<hbm>>, %arg7: memref<10000xi32, #tpu.memory_space<vmem>>, %arg8: memref<125x80xi32, #tpu.memory_space<vmem>>, %arg9: memref<80x128xf32, #tpu.memory_space<vmem>>, %arg10: memref<80x128xf32, #tpu.memory_space<vmem>>, %arg11: memref<10240x128xf32, #tpu.memory_space<vmem_shared>>, %arg12: memref<!tpu.dma_semaphore, #tpu.memory_space<semaphore_mem>>, %arg13: memref<!tpu.dma_semaphore, #tpu.memory_space<semaphore_mem>>, %arg14: memref<!tpu.dma_semaphore, #tpu.memory_space<semaphore_mem>>, %arg15: memref<!tpu.dma_semaphore, #tpu.memory_space<semaphore_mem>>, %arg16: memref<!tpu.dma_semaphore, #tpu.memory_space<semaphore_mem>>, %arg17: memref<!tpu.dma_semaphore, #tpu.memory_space<semaphore_mem>>, %arg18: memref<!tpu.dma_semaphore, #tpu.memory_space<semaphore_mem>>) attributes {dimension_semantics = [#tpu.dimension_semantics<core_parallel>, #tpu.dimension_semantics<subcore_parallel>], iteration_bounds = array<i64: 2, 16>, scalar_prefetch = 0 : i64, scratch_operands = 12 : i64, tpu.core_type = #tpu.core_type<sc_vector_subcore>, window_params = [{transform_indices = #map}, {transform_indices = #map1}, {transform_indices = #map2}, {transform_indices = #map}, {transform_indices = #map2}]} {
    %mul3A = arith.constant 2 : i32
    %mul3A_0 = arith.muli %arg1, %mul3A : i32
    %add3A = arith.addi %mul3A_0, %arg0 : i32
    %mul3A_1 = arith.constant 640 : i32
    %mul3A_2 = arith.muli %arg1, %mul3A_1 : i32
    %mul3A_3 = arith.constant 640 : i32
    %mul3A_4 = arith.muli %arg1, %mul3A_3 : i32
    %dma_start3A = arith.constant 0 : i32
    %dma_start3A_5 = tpu.memref_slice %arg11[%mul3A_4, %dma_start3A] : memref<10240x128xf32, #tpu.memory_space<vmem_shared>> -> memref<640x128xf32, #tpu.memory_space<vmem_shared>>
    %dma_start3A_6 = arith.constant 0 : i32
    %dma_start3A_7 = tpu.memref_slice %arg5[%mul3A_2, %dma_start3A_6] : memref<10240x128xf32, #tpu.memory_space<hbm>> -> memref<640x128xf32, #tpu.memory_space<hbm>>
    tpu.enqueue_dma source(%dma_start3A_7 : memref<640x128xf32, #tpu.memory_space<hbm>>) target(%dma_start3A_5 : memref<640x128xf32, #tpu.memory_space<vmem_shared>>) target_semaphore(%arg16 : memref<!tpu.dma_semaphore, #tpu.memory_space<semaphore_mem>>)
    %mul3A_8 = arith.constant 10000 : i32
    %mul3A_9 = arith.muli %add3A, %mul3A_8 : i32
    %dma_start3A_10 = tpu.memref_slice %arg3[%mul3A_9] : memref<320000xi32, #tpu.memory_space<hbm>> -> memref<10000xi32, #tpu.memory_space<hbm>>
    %dma_start3A_11 = tpu.memref_slice %arg3[%mul3A_9] : memref<320000xi32, #tpu.memory_space<hbm>> -> memref<10000xi32, #tpu.memory_space<hbm>>
    tpu.enqueue_dma source(%dma_start3A_11 : memref<10000xi32, #tpu.memory_space<hbm>>) target(%arg7 : memref<10000xi32, #tpu.memory_space<vmem>>) target_semaphore(%arg17 : memref<!tpu.dma_semaphore, #tpu.memory_space<semaphore_mem>>)
    %mul3A_12 = arith.constant 125 : i32
    %mul3A_13 = arith.muli %add3A, %mul3A_12 : i32
    %dma_start3A_14 = arith.constant 0 : i32
    %dma_start3A_15 = arith.constant 0 : i32
    %dma_start3A_16 = tpu.memref_slice %arg4[%mul3A_13, %dma_start3A_14, %dma_start3A_15] : memref<4000x1x80xi32, #tpu.memory_space<hbm>> -> memref<125x1x80xi32, #tpu.memory_space<hbm>>
    %dma_start3A_17 = tpu.memref_squeeze %dma_start3A_16 : memref<125x1x80xi32, #tpu.memory_space<hbm>> -> memref<125x80xi32, #tpu.memory_space<hbm>>
    %dma_start3A_18 = arith.constant 0 : i32
    %dma_start3A_19 = tpu.memref_slice %arg4[%mul3A_13, %dma_start3A_14, %dma_start3A_18] : memref<4000x1x80xi32, #tpu.memory_space<hbm>> -> memref<125x1x80xi32, #tpu.memory_space<hbm>>
    %dma_start3A_20 = tpu.memref_squeeze %dma_start3A_19 : memref<125x1x80xi32, #tpu.memory_space<hbm>> -> memref<125x80xi32, #tpu.memory_space<hbm>>
    tpu.enqueue_dma source(%dma_start3A_20 : memref<125x80xi32, #tpu.memory_space<hbm>>) target(%arg8 : memref<125x80xi32, #tpu.memory_space<vmem>>) target_semaphore(%arg18 : memref<!tpu.dma_semaphore, #tpu.memory_space<semaphore_mem>>)
    %mul3A_21 = arith.constant 10000 : i32
    %mul3A_22 = arith.muli %add3A, %mul3A_21 : i32
    %dma_wait3A = tpu.memref_slice %arg3[%mul3A_22] : memref<320000xi32, #tpu.memory_space<hbm>> -> memref<10000xi32, #tpu.memory_space<hbm>>
    %dma_wait3A_23 = tpu.memref_slice %arg3[%mul3A_22] : memref<320000xi32, #tpu.memory_space<hbm>> -> memref<10000xi32, #tpu.memory_space<hbm>>
    tpu.wait_dma2 semaphore(%arg17 : memref<!tpu.dma_semaphore, #tpu.memory_space<semaphore_mem>>) src(%dma_wait3A_23 : memref<10000xi32, #tpu.memory_space<hbm>>) dst(%arg7 : memref<10000xi32, #tpu.memory_space<vmem>>)
    %dma_start3A_24 = arith.constant 0 : i32
    %dma_start3A_25 = arith.constant 0 : i32
    %dma_start3A_26 = tpu.memref_slice %arg9[%dma_start3A_24, %dma_start3A_25] : memref<80x128xf32, #tpu.memory_space<vmem>> -> memref<40x128xf32, #tpu.memory_space<vmem>>
    %dma_start3A_27 = arith.constant 0 : i32
    %dma_start3A_28 = tpu.memref_slice %arg7[%dma_start3A_27] : memref<10000xi32, #tpu.memory_space<vmem>> -> memref<40xi32, #tpu.memory_space<vmem>>
    %dma_start3A_29 = arith.constant 0 : i32
    %dma_start3A_30 = arith.constant 0 : i32
    %dma_start3A_31 = tpu.memref_slice %arg2[%dma_start3A_29, %dma_start3A_30] : memref<10000x128xf32, #tpu.memory_space<hbm>> -> memref<10000x128xf32, #tpu.memory_space<hbm>>
    tpu.enqueue_indirect_dma source(%dma_start3A_31 : memref<10000x128xf32, #tpu.memory_space<hbm>>) target(%dma_start3A_26 : memref<40x128xf32, #tpu.memory_space<vmem>>) offsets(%dma_start3A_28 : memref<40xi32, #tpu.memory_space<vmem>>) semaphore(%arg12 : memref<!tpu.dma_semaphore, #tpu.memory_space<semaphore_mem>>)
    %dma_start3A_32 = arith.constant 40 : i32
    %dma_start3A_33 = arith.constant 0 : i32
    %dma_start3A_34 = tpu.memref_slice %arg9[%dma_start3A_32, %dma_start3A_33] : memref<80x128xf32, #tpu.memory_space<vmem>> -> memref<40x128xf32, #tpu.memory_space<vmem>>
    %dma_start3A_35 = arith.constant 40 : i32
    %dma_start3A_36 = tpu.memref_slice %arg7[%dma_start3A_35] : memref<10000xi32, #tpu.memory_space<vmem>> -> memref<40xi32, #tpu.memory_space<vmem>>
    %dma_start3A_37 = arith.constant 0 : i32
    %dma_start3A_38 = arith.constant 0 : i32
    %dma_start3A_39 = tpu.memref_slice %arg2[%dma_start3A_37, %dma_start3A_38] : memref<10000x128xf32, #tpu.memory_space<hbm>> -> memref<10000x128xf32, #tpu.memory_space<hbm>>
    tpu.enqueue_indirect_dma source(%dma_start3A_39 : memref<10000x128xf32, #tpu.memory_space<hbm>>) target(%dma_start3A_34 : memref<40x128xf32, #tpu.memory_space<vmem>>) offsets(%dma_start3A_36 : memref<40xi32, #tpu.memory_space<vmem>>) semaphore(%arg14 : memref<!tpu.dma_semaphore, #tpu.memory_space<semaphore_mem>>)
    %dma_start3A_40 = arith.constant 0 : i32
    %dma_start3A_41 = arith.constant 0 : i32
    %dma_start3A_42 = tpu.memref_slice %arg10[%dma_start3A_40, %dma_start3A_41] : memref<80x128xf32, #tpu.memory_space<vmem>> -> memref<40x128xf32, #tpu.memory_space<vmem>>
    %dma_start3A_43 = arith.constant 80 : i32
    %dma_start3A_44 = tpu.memref_slice %arg7[%dma_start3A_43] : memref<10000xi32, #tpu.memory_space<vmem>> -> memref<40xi32, #tpu.memory_space<vmem>>
    %dma_start3A_45 = arith.constant 0 : i32
    %dma_start3A_46 = arith.constant 0 : i32
    %dma_start3A_47 = tpu.memref_slice %arg2[%dma_start3A_45, %dma_start3A_46] : memref<10000x128xf32, #tpu.memory_space<hbm>> -> memref<10000x128xf32, #tpu.memory_space<hbm>>
    tpu.enqueue_indirect_dma source(%dma_start3A_47 : memref<10000x128xf32, #tpu.memory_space<hbm>>) target(%dma_start3A_42 : memref<40x128xf32, #tpu.memory_space<vmem>>) offsets(%dma_start3A_44 : memref<40xi32, #tpu.memory_space<vmem>>) semaphore(%arg13 : memref<!tpu.dma_semaphore, #tpu.memory_space<semaphore_mem>>)
    %dma_start3A_48 = arith.constant 40 : i32
    %dma_start3A_49 = arith.constant 0 : i32
    %dma_start3A_50 = tpu.memref_slice %arg10[%dma_start3A_48, %dma_start3A_49] : memref<80x128xf32, #tpu.memory_space<vmem>> -> memref<40x128xf32, #tpu.memory_space<vmem>>
    %dma_start3A_51 = arith.constant 120 : i32
    %dma_start3A_52 = tpu.memref_slice %arg7[%dma_start3A_51] : memref<10000xi32, #tpu.memory_space<vmem>> -> memref<40xi32, #tpu.memory_space<vmem>>
    %dma_start3A_53 = arith.constant 0 : i32
    %dma_start3A_54 = arith.constant 0 : i32
    %dma_start3A_55 = tpu.memref_slice %arg2[%dma_start3A_53, %dma_start3A_54] : memref<10000x128xf32, #tpu.memory_space<hbm>> -> memref<10000x128xf32, #tpu.memory_space<hbm>>
    tpu.enqueue_indirect_dma source(%dma_start3A_55 : memref<10000x128xf32, #tpu.memory_space<hbm>>) target(%dma_start3A_50 : memref<40x128xf32, #tpu.memory_space<vmem>>) offsets(%dma_start3A_52 : memref<40xi32, #tpu.memory_space<vmem>>) semaphore(%arg15 : memref<!tpu.dma_semaphore, #tpu.memory_space<semaphore_mem>>)
    %mul3A_56 = arith.constant 125 : i32
    %mul3A_57 = arith.muli %add3A, %mul3A_56 : i32
    %dma_wait3A_58 = arith.constant 0 : i32
    %dma_wait3A_59 = arith.constant 0 : i32
    %dma_wait3A_60 = tpu.memref_slice %arg4[%mul3A_57, %dma_wait3A_58, %dma_wait3A_59] : memref<4000x1x80xi32, #tpu.memory_space<hbm>> -> memref<125x1x80xi32, #tpu.memory_space<hbm>>
    %dma_wait3A_61 = tpu.memref_squeeze %dma_wait3A_60 : memref<125x1x80xi32, #tpu.memory_space<hbm>> -> memref<125x80xi32, #tpu.memory_space<hbm>>
    %dma_wait3A_62 = arith.constant 0 : i32
    %dma_wait3A_63 = tpu.memref_slice %arg4[%mul3A_57, %dma_wait3A_58, %dma_wait3A_62] : memref<4000x1x80xi32, #tpu.memory_space<hbm>> -> memref<125x1x80xi32, #tpu.memory_space<hbm>>
    %dma_wait3A_64 = tpu.memref_squeeze %dma_wait3A_63 : memref<125x1x80xi32, #tpu.memory_space<hbm>> -> memref<125x80xi32, #tpu.memory_space<hbm>>
    tpu.wait_dma2 semaphore(%arg18 : memref<!tpu.dma_semaphore, #tpu.memory_space<semaphore_mem>>) src(%dma_wait3A_64 : memref<125x80xi32, #tpu.memory_space<hbm>>) dst(%arg8 : memref<125x80xi32, #tpu.memory_space<vmem>>)
    %mul3A_65 = arith.constant 640 : i32
    %mul3A_66 = arith.muli %arg1, %mul3A_65 : i32
    %mul3A_67 = arith.constant 640 : i32
    %mul3A_68 = arith.muli %arg1, %mul3A_67 : i32
    %dma_wait3A_69 = arith.constant 0 : i32
    %dma_wait3A_70 = tpu.memref_slice %arg11[%mul3A_68, %dma_wait3A_69] : memref<10240x128xf32, #tpu.memory_space<vmem_shared>> -> memref<640x128xf32, #tpu.memory_space<vmem_shared>>
    %dma_wait3A_71 = arith.constant 0 : i32
    %dma_wait3A_72 = tpu.memref_slice %arg5[%mul3A_66, %dma_wait3A_71] : memref<10240x128xf32, #tpu.memory_space<hbm>> -> memref<640x128xf32, #tpu.memory_space<hbm>>
    tpu.wait_dma2 semaphore(%arg16 : memref<!tpu.dma_semaphore, #tpu.memory_space<semaphore_mem>>) src(%dma_wait3A_72 : memref<640x128xf32, #tpu.memory_space<hbm>>) dst(%dma_wait3A_70 : memref<640x128xf32, #tpu.memory_space<vmem_shared>>)
    %barrier3A = arith.constant 0 : index
    tpu.barrier barrier_id(%barrier3A)
    %scan3A = arith.constant 0 : i32
    %scan3A_73 = arith.constant 0 : i32
    %scan3A_74 = arith.constant 61 : i32
    %scan3A_75 = arith.addi %scan3A_73, %scan3A_74 : i32
    %scan3A_76 = arith.constant 1 : i32
    scf.for %scan3A_149 = %scan3A_73 to %scan3A_75 step %scan3A_76  : i32 {
      %mul3A_150 = arith.constant 2 : i32
      %mul3A_151 = arith.muli %scan3A_149, %mul3A_150 : i32
      %dma_wait3A_152 = arith.constant 0 : i32
      %dma_wait3A_153 = arith.constant 0 : i32
      %dma_wait3A_154 = tpu.memref_slice %arg9[%dma_wait3A_152, %dma_wait3A_153] : memref<80x128xf32, #tpu.memory_space<vmem>> -> memref<40x128xf32, #tpu.memory_space<vmem>>
      %dma_wait3A_155 = arith.constant 0 : i32
      %dma_wait3A_156 = tpu.memref_slice %arg7[%dma_wait3A_155] : memref<10000xi32, #tpu.memory_space<vmem>> -> memref<40xi32, #tpu.memory_space<vmem>>
      %dma_wait3A_157 = arith.constant 0 : i32
      %dma_wait3A_158 = arith.constant 0 : i32
      %dma_wait3A_159 = tpu.memref_slice %arg2[%dma_wait3A_157, %dma_wait3A_158] : memref<10000x128xf32, #tpu.memory_space<hbm>> -> memref<10000x128xf32, #tpu.memory_space<hbm>>
      tpu.wait_indirect_dma semaphore(%arg12 : memref<!tpu.dma_semaphore, #tpu.memory_space<semaphore_mem>>) src(%dma_wait3A_159 : memref<10000x128xf32, #tpu.memory_space<hbm>>) dst(%dma_wait3A_154 : memref<40x128xf32, #tpu.memory_space<vmem>>)
      %dma_wait3A_160 = arith.constant 40 : i32
      %dma_wait3A_161 = arith.constant 0 : i32
      %dma_wait3A_162 = tpu.memref_slice %arg9[%dma_wait3A_160, %dma_wait3A_161] : memref<80x128xf32, #tpu.memory_space<vmem>> -> memref<40x128xf32, #tpu.memory_space<vmem>>
      %dma_wait3A_163 = arith.constant 0 : i32
      %dma_wait3A_164 = tpu.memref_slice %arg7[%dma_wait3A_163] : memref<10000xi32, #tpu.memory_space<vmem>> -> memref<40xi32, #tpu.memory_space<vmem>>
      %dma_wait3A_165 = arith.constant 0 : i32
      %dma_wait3A_166 = arith.constant 0 : i32
      %dma_wait3A_167 = tpu.memref_slice %arg2[%dma_wait3A_165, %dma_wait3A_166] : memref<10000x128xf32, #tpu.memory_space<hbm>> -> memref<10000x128xf32, #tpu.memory_space<hbm>>
      tpu.wait_indirect_dma semaphore(%arg14 : memref<!tpu.dma_semaphore, #tpu.memory_space<semaphore_mem>>) src(%dma_wait3A_167 : memref<10000x128xf32, #tpu.memory_space<hbm>>) dst(%dma_wait3A_162 : memref<40x128xf32, #tpu.memory_space<vmem>>)
      "tpu.region"() ({
        %run_scoped3A_234 = tpu.sem_alloc : memref<!tpu.dma_semaphore, #tpu.memory_space<semaphore_mem>>
        %dma_start3A_235 = arith.constant 0 : i32
        %dma_start3A_236 = tpu.memref_slice %arg8[%mul3A_151, %dma_start3A_235] : memref<125x80xi32, #tpu.memory_space<vmem>> -> memref<1x80xi32, #tpu.memory_space<vmem>>
        %dma_start3A_237 = tpu.memref_squeeze %dma_start3A_236 : memref<1x80xi32, #tpu.memory_space<vmem>> -> memref<80xi32, #tpu.memory_space<vmem>>
        %dma_start3A_238 = arith.constant 0 : i32
        %dma_start3A_239 = arith.constant 0 : i32
        %dma_start3A_240 = tpu.memref_slice %arg11[%dma_start3A_238, %dma_start3A_239] : memref<10240x128xf32, #tpu.memory_space<vmem_shared>> -> memref<10240x128xf32, #tpu.memory_space<vmem_shared>>
        tpu.enqueue_indirect_dma source(%arg9 : memref<80x128xf32, #tpu.memory_space<vmem>>) target(%dma_start3A_240 : memref<10240x128xf32, #tpu.memory_space<vmem_shared>>) offsets(%dma_start3A_237 : memref<80xi32, #tpu.memory_space<vmem>>) semaphore(%run_scoped3A_234 : memref<!tpu.dma_semaphore, #tpu.memory_space<semaphore_mem>>) {add = true}
        %dma_wait3A_241 = arith.constant 0 : i32
        %dma_wait3A_242 = tpu.memref_slice %arg8[%mul3A_151, %dma_wait3A_241] : memref<125x80xi32, #tpu.memory_space<vmem>> -> memref<1x80xi32, #tpu.memory_space<vmem>>
        %dma_wait3A_243 = tpu.memref_squeeze %dma_wait3A_242 : memref<1x80xi32, #tpu.memory_space<vmem>> -> memref<80xi32, #tpu.memory_space<vmem>>
        %dma_wait3A_244 = arith.constant 0 : i32
        %dma_wait3A_245 = arith.constant 0 : i32
        %dma_wait3A_246 = tpu.memref_slice %arg11[%dma_wait3A_244, %dma_wait3A_245] : memref<10240x128xf32, #tpu.memory_space<vmem_shared>> -> memref<10240x128xf32, #tpu.memory_space<vmem_shared>>
        tpu.wait_indirect_dma semaphore(%run_scoped3A_234 : memref<!tpu.dma_semaphore, #tpu.memory_space<semaphore_mem>>) src(%arg9 : memref<80x128xf32, #tpu.memory_space<vmem>>) dst(%dma_wait3A_246 : memref<10240x128xf32, #tpu.memory_space<vmem_shared>>)
        tpu.yield
      }) : () -> ()
      %add3A_168 = arith.constant 2 : i32
      %add3A_169 = arith.addi %mul3A_151, %add3A_168 : i32
      %mul3A_170 = arith.constant 80 : i32
      %mul3A_171 = arith.muli %add3A_169, %mul3A_170 : i32
      %add3A_172 = arith.constant 0 : i32
      %add3A_173 = arith.addi %mul3A_171, %add3A_172 : i32
      %dma_start3A_174 = arith.constant 0 : i32
      %dma_start3A_175 = arith.constant 0 : i32
      %dma_start3A_176 = tpu.memref_slice %arg9[%dma_start3A_174, %dma_start3A_175] : memref<80x128xf32, #tpu.memory_space<vmem>> -> memref<40x128xf32, #tpu.memory_space<vmem>>
      %dma_start3A_177 = tpu.memref_slice %arg7[%add3A_173] : memref<10000xi32, #tpu.memory_space<vmem>> -> memref<40xi32, #tpu.memory_space<vmem>>
      %dma_start3A_178 = arith.constant 0 : i32
      %dma_start3A_179 = arith.constant 0 : i32
      %dma_start3A_180 = tpu.memref_slice %arg2[%dma_start3A_178, %dma_start3A_179] : memref<10000x128xf32, #tpu.memory_space<hbm>> -> memref<10000x128xf32, #tpu.memory_space<hbm>>
      tpu.enqueue_indirect_dma source(%dma_start3A_180 : memref<10000x128xf32, #tpu.memory_space<hbm>>) target(%dma_start3A_176 : memref<40x128xf32, #tpu.memory_space<vmem>>) offsets(%dma_start3A_177 : memref<40xi32, #tpu.memory_space<vmem>>) semaphore(%arg12 : memref<!tpu.dma_semaphore, #tpu.memory_space<semaphore_mem>>)
      %mul3A_181 = arith.constant 80 : i32
      %mul3A_182 = arith.muli %add3A_169, %mul3A_181 : i32
      %add3A_183 = arith.constant 40 : i32
      %add3A_184 = arith.addi %mul3A_182, %add3A_183 : i32
      %dma_start3A_185 = arith.constant 40 : i32
      %dma_start3A_186 = arith.constant 0 : i32
      %dma_start3A_187 = tpu.memref_slice %arg9[%dma_start3A_185, %dma_start3A_186] : memref<80x128xf32, #tpu.memory_space<vmem>> -> memref<40x128xf32, #tpu.memory_space<vmem>>
      %dma_start3A_188 = tpu.memref_slice %arg7[%add3A_184] : memref<10000xi32, #tpu.memory_space<vmem>> -> memref<40xi32, #tpu.memory_space<vmem>>
      %dma_start3A_189 = arith.constant 0 : i32
      %dma_start3A_190 = arith.constant 0 : i32
      %dma_start3A_191 = tpu.memref_slice %arg2[%dma_start3A_189, %dma_start3A_190] : memref<10000x128xf32, #tpu.memory_space<hbm>> -> memref<10000x128xf32, #tpu.memory_space<hbm>>
      tpu.enqueue_indirect_dma source(%dma_start3A_191 : memref<10000x128xf32, #tpu.memory_space<hbm>>) target(%dma_start3A_187 : memref<40x128xf32, #tpu.memory_space<vmem>>) offsets(%dma_start3A_188 : memref<40xi32, #tpu.memory_space<vmem>>) semaphore(%arg14 : memref<!tpu.dma_semaphore, #tpu.memory_space<semaphore_mem>>)
      %dma_wait3A_192 = arith.constant 0 : i32
      %dma_wait3A_193 = arith.constant 0 : i32
      %dma_wait3A_194 = tpu.memref_slice %arg10[%dma_wait3A_192, %dma_wait3A_193] : memref<80x128xf32, #tpu.memory_space<vmem>> -> memref<40x128xf32, #tpu.memory_space<vmem>>
      %dma_wait3A_195 = arith.constant 0 : i32
      %dma_wait3A_196 = tpu.memref_slice %arg7[%dma_wait3A_195] : memref<10000xi32, #tpu.memory_space<vmem>> -> memref<40xi32, #tpu.memory_space<vmem>>
      %dma_wait3A_197 = arith.constant 0 : i32
      %dma_wait3A_198 = arith.constant 0 : i32
      %dma_wait3A_199 = tpu.memref_slice %arg2[%dma_wait3A_197, %dma_wait3A_198] : memref<10000x128xf32, #tpu.memory_space<hbm>> -> memref<10000x128xf32, #tpu.memory_space<hbm>>
      tpu.wait_indirect_dma semaphore(%arg13 : memref<!tpu.dma_semaphore, #tpu.memory_space<semaphore_mem>>) src(%dma_wait3A_199 : memref<10000x128xf32, #tpu.memory_space<hbm>>) dst(%dma_wait3A_194 : memref<40x128xf32, #tpu.memory_space<vmem>>)
      %dma_wait3A_200 = arith.constant 40 : i32
      %dma_wait3A_201 = arith.constant 0 : i32
      %dma_wait3A_202 = tpu.memref_slice %arg10[%dma_wait3A_200, %dma_wait3A_201] : memref<80x128xf32, #tpu.memory_space<vmem>> -> memref<40x128xf32, #tpu.memory_space<vmem>>
      %dma_wait3A_203 = arith.constant 0 : i32
      %dma_wait3A_204 = tpu.memref_slice %arg7[%dma_wait3A_203] : memref<10000xi32, #tpu.memory_space<vmem>> -> memref<40xi32, #tpu.memory_space<vmem>>
      %dma_wait3A_205 = arith.constant 0 : i32
      %dma_wait3A_206 = arith.constant 0 : i32
      %dma_wait3A_207 = tpu.memref_slice %arg2[%dma_wait3A_205, %dma_wait3A_206] : memref<10000x128xf32, #tpu.memory_space<hbm>> -> memref<10000x128xf32, #tpu.memory_space<hbm>>
      tpu.wait_indirect_dma semaphore(%arg15 : memref<!tpu.dma_semaphore, #tpu.memory_space<semaphore_mem>>) src(%dma_wait3A_207 : memref<10000x128xf32, #tpu.memory_space<hbm>>) dst(%dma_wait3A_202 : memref<40x128xf32, #tpu.memory_space<vmem>>)
      %add3A_208 = arith.constant 1 : i32
      %add3A_209 = arith.addi %mul3A_151, %add3A_208 : i32
      "tpu.region"() ({
        %run_scoped3A_234 = tpu.sem_alloc : memref<!tpu.dma_semaphore, #tpu.memory_space<semaphore_mem>>
        %dma_start3A_235 = arith.constant 0 : i32
        %dma_start3A_236 = tpu.memref_slice %arg8[%add3A_209, %dma_start3A_235] : memref<125x80xi32, #tpu.memory_space<vmem>> -> memref<1x80xi32, #tpu.memory_space<vmem>>
        %dma_start3A_237 = tpu.memref_squeeze %dma_start3A_236 : memref<1x80xi32, #tpu.memory_space<vmem>> -> memref<80xi32, #tpu.memory_space<vmem>>
        %dma_start3A_238 = arith.constant 0 : i32
        %dma_start3A_239 = arith.constant 0 : i32
        %dma_start3A_240 = tpu.memref_slice %arg11[%dma_start3A_238, %dma_start3A_239] : memref<10240x128xf32, #tpu.memory_space<vmem_shared>> -> memref<10240x128xf32, #tpu.memory_space<vmem_shared>>
        tpu.enqueue_indirect_dma source(%arg10 : memref<80x128xf32, #tpu.memory_space<vmem>>) target(%dma_start3A_240 : memref<10240x128xf32, #tpu.memory_space<vmem_shared>>) offsets(%dma_start3A_237 : memref<80xi32, #tpu.memory_space<vmem>>) semaphore(%run_scoped3A_234 : memref<!tpu.dma_semaphore, #tpu.memory_space<semaphore_mem>>) {add = true}
        %dma_wait3A_241 = arith.constant 0 : i32
        %dma_wait3A_242 = tpu.memref_slice %arg8[%add3A_209, %dma_wait3A_241] : memref<125x80xi32, #tpu.memory_space<vmem>> -> memref<1x80xi32, #tpu.memory_space<vmem>>
        %dma_wait3A_243 = tpu.memref_squeeze %dma_wait3A_242 : memref<1x80xi32, #tpu.memory_space<vmem>> -> memref<80xi32, #tpu.memory_space<vmem>>
        %dma_wait3A_244 = arith.constant 0 : i32
        %dma_wait3A_245 = arith.constant 0 : i32
        %dma_wait3A_246 = tpu.memref_slice %arg11[%dma_wait3A_244, %dma_wait3A_245] : memref<10240x128xf32, #tpu.memory_space<vmem_shared>> -> memref<10240x128xf32, #tpu.memory_space<vmem_shared>>
        tpu.wait_indirect_dma semaphore(%run_scoped3A_234 : memref<!tpu.dma_semaphore, #tpu.memory_space<semaphore_mem>>) src(%arg10 : memref<80x128xf32, #tpu.memory_space<vmem>>) dst(%dma_wait3A_246 : memref<10240x128xf32, #tpu.memory_space<vmem_shared>>)
        tpu.yield
      }) : () -> ()
      %add3A_210 = arith.constant 3 : i32
      %add3A_211 = arith.addi %mul3A_151, %add3A_210 : i32
      %mul3A_212 = arith.constant 80 : i32
      %mul3A_213 = arith.muli %add3A_211, %mul3A_212 : i32
      %add3A_214 = arith.constant 0 : i32
      %add3A_215 = arith.addi %mul3A_213, %add3A_214 : i32
      %dma_start3A_216 = arith.constant 0 : i32
      %dma_start3A_217 = arith.constant 0 : i32
      %dma_start3A_218 = tpu.memref_slice %arg10[%dma_start3A_216, %dma_start3A_217] : memref<80x128xf32, #tpu.memory_space<vmem>> -> memref<40x128xf32, #tpu.memory_space<vmem>>
      %dma_start3A_219 = tpu.memref_slice %arg7[%add3A_215] : memref<10000xi32, #tpu.memory_space<vmem>> -> memref<40xi32, #tpu.memory_space<vmem>>
      %dma_start3A_220 = arith.constant 0 : i32
      %dma_start3A_221 = arith.constant 0 : i32
      %dma_start3A_222 = tpu.memref_slice %arg2[%dma_start3A_220, %dma_start3A_221] : memref<10000x128xf32, #tpu.memory_space<hbm>> -> memref<10000x128xf32, #tpu.memory_space<hbm>>
      tpu.enqueue_indirect_dma source(%dma_start3A_222 : memref<10000x128xf32, #tpu.memory_space<hbm>>) target(%dma_start3A_218 : memref<40x128xf32, #tpu.memory_space<vmem>>) offsets(%dma_start3A_219 : memref<40xi32, #tpu.memory_space<vmem>>) semaphore(%arg13 : memref<!tpu.dma_semaphore, #tpu.memory_space<semaphore_mem>>)
      %mul3A_223 = arith.constant 80 : i32
      %mul3A_224 = arith.muli %add3A_211, %mul3A_223 : i32
      %add3A_225 = arith.constant 40 : i32
      %add3A_226 = arith.addi %mul3A_224, %add3A_225 : i32
      %dma_start3A_227 = arith.constant 40 : i32
      %dma_start3A_228 = arith.constant 0 : i32
      %dma_start3A_229 = tpu.memref_slice %arg10[%dma_start3A_227, %dma_start3A_228] : memref<80x128xf32, #tpu.memory_space<vmem>> -> memref<40x128xf32, #tpu.memory_space<vmem>>
      %dma_start3A_230 = tpu.memref_slice %arg7[%add3A_226] : memref<10000xi32, #tpu.memory_space<vmem>> -> memref<40xi32, #tpu.memory_space<vmem>>
      %dma_start3A_231 = arith.constant 0 : i32
      %dma_start3A_232 = arith.constant 0 : i32
      %dma_start3A_233 = tpu.memref_slice %arg2[%dma_start3A_231, %dma_start3A_232] : memref<10000x128xf32, #tpu.memory_space<hbm>> -> memref<10000x128xf32, #tpu.memory_space<hbm>>
      tpu.enqueue_indirect_dma source(%dma_start3A_233 : memref<10000x128xf32, #tpu.memory_space<hbm>>) target(%dma_start3A_229 : memref<40x128xf32, #tpu.memory_space<vmem>>) offsets(%dma_start3A_230 : memref<40xi32, #tpu.memory_space<vmem>>) semaphore(%arg15 : memref<!tpu.dma_semaphore, #tpu.memory_space<semaphore_mem>>)
    }
    %scan3A_77 = arith.constant 61 : i32
    %dma_wait3A_78 = arith.constant 0 : i32
    %dma_wait3A_79 = arith.constant 0 : i32
    %dma_wait3A_80 = tpu.memref_slice %arg9[%dma_wait3A_78, %dma_wait3A_79] : memref<80x128xf32, #tpu.memory_space<vmem>> -> memref<40x128xf32, #tpu.memory_space<vmem>>
    %dma_wait3A_81 = arith.constant 0 : i32
    %dma_wait3A_82 = tpu.memref_slice %arg7[%dma_wait3A_81] : memref<10000xi32, #tpu.memory_space<vmem>> -> memref<40xi32, #tpu.memory_space<vmem>>
    %dma_wait3A_83 = arith.constant 0 : i32
    %dma_wait3A_84 = arith.constant 0 : i32
    %dma_wait3A_85 = tpu.memref_slice %arg2[%dma_wait3A_83, %dma_wait3A_84] : memref<10000x128xf32, #tpu.memory_space<hbm>> -> memref<10000x128xf32, #tpu.memory_space<hbm>>
    tpu.wait_indirect_dma semaphore(%arg12 : memref<!tpu.dma_semaphore, #tpu.memory_space<semaphore_mem>>) src(%dma_wait3A_85 : memref<10000x128xf32, #tpu.memory_space<hbm>>) dst(%dma_wait3A_80 : memref<40x128xf32, #tpu.memory_space<vmem>>)
    %dma_wait3A_86 = arith.constant 40 : i32
    %dma_wait3A_87 = arith.constant 0 : i32
    %dma_wait3A_88 = tpu.memref_slice %arg9[%dma_wait3A_86, %dma_wait3A_87] : memref<80x128xf32, #tpu.memory_space<vmem>> -> memref<40x128xf32, #tpu.memory_space<vmem>>
    %dma_wait3A_89 = arith.constant 0 : i32
    %dma_wait3A_90 = tpu.memref_slice %arg7[%dma_wait3A_89] : memref<10000xi32, #tpu.memory_space<vmem>> -> memref<40xi32, #tpu.memory_space<vmem>>
    %dma_wait3A_91 = arith.constant 0 : i32
    %dma_wait3A_92 = arith.constant 0 : i32
    %dma_wait3A_93 = tpu.memref_slice %arg2[%dma_wait3A_91, %dma_wait3A_92] : memref<10000x128xf32, #tpu.memory_space<hbm>> -> memref<10000x128xf32, #tpu.memory_space<hbm>>
    tpu.wait_indirect_dma semaphore(%arg14 : memref<!tpu.dma_semaphore, #tpu.memory_space<semaphore_mem>>) src(%dma_wait3A_93 : memref<10000x128xf32, #tpu.memory_space<hbm>>) dst(%dma_wait3A_88 : memref<40x128xf32, #tpu.memory_space<vmem>>)
    %run_scoped3A = arith.constant 122 : i32
    "tpu.region"() ({
      %run_scoped3A_149 = tpu.sem_alloc : memref<!tpu.dma_semaphore, #tpu.memory_space<semaphore_mem>>
      %dma_start3A_150 = arith.constant 0 : i32
      %dma_start3A_151 = tpu.memref_slice %arg8[%run_scoped3A, %dma_start3A_150] : memref<125x80xi32, #tpu.memory_space<vmem>> -> memref<1x80xi32, #tpu.memory_space<vmem>>
      %dma_start3A_152 = tpu.memref_squeeze %dma_start3A_151 : memref<1x80xi32, #tpu.memory_space<vmem>> -> memref<80xi32, #tpu.memory_space<vmem>>
      %dma_start3A_153 = arith.constant 0 : i32
      %dma_start3A_154 = arith.constant 0 : i32
      %dma_start3A_155 = tpu.memref_slice %arg11[%dma_start3A_153, %dma_start3A_154] : memref<10240x128xf32, #tpu.memory_space<vmem_shared>> -> memref<10240x128xf32, #tpu.memory_space<vmem_shared>>
      tpu.enqueue_indirect_dma source(%arg9 : memref<80x128xf32, #tpu.memory_space<vmem>>) target(%dma_start3A_155 : memref<10240x128xf32, #tpu.memory_space<vmem_shared>>) offsets(%dma_start3A_152 : memref<80xi32, #tpu.memory_space<vmem>>) semaphore(%run_scoped3A_149 : memref<!tpu.dma_semaphore, #tpu.memory_space<semaphore_mem>>) {add = true}
      %dma_wait3A_156 = arith.constant 0 : i32
      %dma_wait3A_157 = tpu.memref_slice %arg8[%run_scoped3A, %dma_wait3A_156] : memref<125x80xi32, #tpu.memory_space<vmem>> -> memref<1x80xi32, #tpu.memory_space<vmem>>
      %dma_wait3A_158 = tpu.memref_squeeze %dma_wait3A_157 : memref<1x80xi32, #tpu.memory_space<vmem>> -> memref<80xi32, #tpu.memory_space<vmem>>
      %dma_wait3A_159 = arith.constant 0 : i32
      %dma_wait3A_160 = arith.constant 0 : i32
      %dma_wait3A_161 = tpu.memref_slice %arg11[%dma_wait3A_159, %dma_wait3A_160] : memref<10240x128xf32, #tpu.memory_space<vmem_shared>> -> memref<10240x128xf32, #tpu.memory_space<vmem_shared>>
      tpu.wait_indirect_dma semaphore(%run_scoped3A_149 : memref<!tpu.dma_semaphore, #tpu.memory_space<semaphore_mem>>) src(%arg9 : memref<80x128xf32, #tpu.memory_space<vmem>>) dst(%dma_wait3A_161 : memref<10240x128xf32, #tpu.memory_space<vmem_shared>>)
      tpu.yield
    }) : () -> ()
    %dma_start3A_94 = arith.constant 0 : i32
    %dma_start3A_95 = arith.constant 0 : i32
    %dma_start3A_96 = tpu.memref_slice %arg9[%dma_start3A_94, %dma_start3A_95] : memref<80x128xf32, #tpu.memory_space<vmem>> -> memref<40x128xf32, #tpu.memory_space<vmem>>
    %dma_start3A_97 = arith.constant 9920 : i32
    %dma_start3A_98 = tpu.memref_slice %arg7[%dma_start3A_97] : memref<10000xi32, #tpu.memory_space<vmem>> -> memref<40xi32, #tpu.memory_space<vmem>>
    %dma_start3A_99 = arith.constant 0 : i32
    %dma_start3A_100 = arith.constant 0 : i32
    %dma_start3A_101 = tpu.memref_slice %arg2[%dma_start3A_99, %dma_start3A_100] : memref<10000x128xf32, #tpu.memory_space<hbm>> -> memref<10000x128xf32, #tpu.memory_space<hbm>>
    tpu.enqueue_indirect_dma source(%dma_start3A_101 : memref<10000x128xf32, #tpu.memory_space<hbm>>) target(%dma_start3A_96 : memref<40x128xf32, #tpu.memory_space<vmem>>) offsets(%dma_start3A_98 : memref<40xi32, #tpu.memory_space<vmem>>) semaphore(%arg12 : memref<!tpu.dma_semaphore, #tpu.memory_space<semaphore_mem>>)
    %dma_start3A_102 = arith.constant 40 : i32
    %dma_start3A_103 = arith.constant 0 : i32
    %dma_start3A_104 = tpu.memref_slice %arg9[%dma_start3A_102, %dma_start3A_103] : memref<80x128xf32, #tpu.memory_space<vmem>> -> memref<40x128xf32, #tpu.memory_space<vmem>>
    %dma_start3A_105 = arith.constant 9960 : i32
    %dma_start3A_106 = tpu.memref_slice %arg7[%dma_start3A_105] : memref<10000xi32, #tpu.memory_space<vmem>> -> memref<40xi32, #tpu.memory_space<vmem>>
    %dma_start3A_107 = arith.constant 0 : i32
    %dma_start3A_108 = arith.constant 0 : i32
    %dma_start3A_109 = tpu.memref_slice %arg2[%dma_start3A_107, %dma_start3A_108] : memref<10000x128xf32, #tpu.memory_space<hbm>> -> memref<10000x128xf32, #tpu.memory_space<hbm>>
    tpu.enqueue_indirect_dma source(%dma_start3A_109 : memref<10000x128xf32, #tpu.memory_space<hbm>>) target(%dma_start3A_104 : memref<40x128xf32, #tpu.memory_space<vmem>>) offsets(%dma_start3A_106 : memref<40xi32, #tpu.memory_space<vmem>>) semaphore(%arg14 : memref<!tpu.dma_semaphore, #tpu.memory_space<semaphore_mem>>)
    %dma_wait3A_110 = arith.constant 0 : i32
    %dma_wait3A_111 = arith.constant 0 : i32
    %dma_wait3A_112 = tpu.memref_slice %arg10[%dma_wait3A_110, %dma_wait3A_111] : memref<80x128xf32, #tpu.memory_space<vmem>> -> memref<40x128xf32, #tpu.memory_space<vmem>>
    %dma_wait3A_113 = arith.constant 0 : i32
    %dma_wait3A_114 = tpu.memref_slice %arg7[%dma_wait3A_113] : memref<10000xi32, #tpu.memory_space<vmem>> -> memref<40xi32, #tpu.memory_space<vmem>>
    %dma_wait3A_115 = arith.constant 0 : i32
    %dma_wait3A_116 = arith.constant 0 : i32
    %dma_wait3A_117 = tpu.memref_slice %arg2[%dma_wait3A_115, %dma_wait3A_116] : memref<10000x128xf32, #tpu.memory_space<hbm>> -> memref<10000x128xf32, #tpu.memory_space<hbm>>
    tpu.wait_indirect_dma semaphore(%arg13 : memref<!tpu.dma_semaphore, #tpu.memory_space<semaphore_mem>>) src(%dma_wait3A_117 : memref<10000x128xf32, #tpu.memory_space<hbm>>) dst(%dma_wait3A_112 : memref<40x128xf32, #tpu.memory_space<vmem>>)
    %dma_wait3A_118 = arith.constant 40 : i32
    %dma_wait3A_119 = arith.constant 0 : i32
    %dma_wait3A_120 = tpu.memref_slice %arg10[%dma_wait3A_118, %dma_wait3A_119] : memref<80x128xf32, #tpu.memory_space<vmem>> -> memref<40x128xf32, #tpu.memory_space<vmem>>
    %dma_wait3A_121 = arith.constant 0 : i32
    %dma_wait3A_122 = tpu.memref_slice %arg7[%dma_wait3A_121] : memref<10000xi32, #tpu.memory_space<vmem>> -> memref<40xi32, #tpu.memory_space<vmem>>
    %dma_wait3A_123 = arith.constant 0 : i32
    %dma_wait3A_124 = arith.constant 0 : i32
    %dma_wait3A_125 = tpu.memref_slice %arg2[%dma_wait3A_123, %dma_wait3A_124] : memref<10000x128xf32, #tpu.memory_space<hbm>> -> memref<10000x128xf32, #tpu.memory_space<hbm>>
    tpu.wait_indirect_dma semaphore(%arg15 : memref<!tpu.dma_semaphore, #tpu.memory_space<semaphore_mem>>) src(%dma_wait3A_125 : memref<10000x128xf32, #tpu.memory_space<hbm>>) dst(%dma_wait3A_120 : memref<40x128xf32, #tpu.memory_space<vmem>>)
    %run_scoped3A_126 = arith.constant 123 : i32
    "tpu.region"() ({
      %run_scoped3A_149 = tpu.sem_alloc : memref<!tpu.dma_semaphore, #tpu.memory_space<semaphore_mem>>
      %dma_start3A_150 = arith.constant 0 : i32
      %dma_start3A_151 = tpu.memref_slice %arg8[%run_scoped3A_126, %dma_start3A_150] : memref<125x80xi32, #tpu.memory_space<vmem>> -> memref<1x80xi32, #tpu.memory_space<vmem>>
      %dma_start3A_152 = tpu.memref_squeeze %dma_start3A_151 : memref<1x80xi32, #tpu.memory_space<vmem>> -> memref<80xi32, #tpu.memory_space<vmem>>
      %dma_start3A_153 = arith.constant 0 : i32
      %dma_start3A_154 = arith.constant 0 : i32
      %dma_start3A_155 = tpu.memref_slice %arg11[%dma_start3A_153, %dma_start3A_154] : memref<10240x128xf32, #tpu.memory_space<vmem_shared>> -> memref<10240x128xf32, #tpu.memory_space<vmem_shared>>
      tpu.enqueue_indirect_dma source(%arg10 : memref<80x128xf32, #tpu.memory_space<vmem>>) target(%dma_start3A_155 : memref<10240x128xf32, #tpu.memory_space<vmem_shared>>) offsets(%dma_start3A_152 : memref<80xi32, #tpu.memory_space<vmem>>) semaphore(%run_scoped3A_149 : memref<!tpu.dma_semaphore, #tpu.memory_space<semaphore_mem>>) {add = true}
      %dma_wait3A_156 = arith.constant 0 : i32
      %dma_wait3A_157 = tpu.memref_slice %arg8[%run_scoped3A_126, %dma_wait3A_156] : memref<125x80xi32, #tpu.memory_space<vmem>> -> memref<1x80xi32, #tpu.memory_space<vmem>>
      %dma_wait3A_158 = tpu.memref_squeeze %dma_wait3A_157 : memref<1x80xi32, #tpu.memory_space<vmem>> -> memref<80xi32, #tpu.memory_space<vmem>>
      %dma_wait3A_159 = arith.constant 0 : i32
      %dma_wait3A_160 = arith.constant 0 : i32
      %dma_wait3A_161 = tpu.memref_slice %arg11[%dma_wait3A_159, %dma_wait3A_160] : memref<10240x128xf32, #tpu.memory_space<vmem_shared>> -> memref<10240x128xf32, #tpu.memory_space<vmem_shared>>
      tpu.wait_indirect_dma semaphore(%run_scoped3A_149 : memref<!tpu.dma_semaphore, #tpu.memory_space<semaphore_mem>>) src(%arg10 : memref<80x128xf32, #tpu.memory_space<vmem>>) dst(%dma_wait3A_161 : memref<10240x128xf32, #tpu.memory_space<vmem_shared>>)
      tpu.yield
    }) : () -> ()
    %dma_wait3A_127 = arith.constant 0 : i32
    %dma_wait3A_128 = arith.constant 0 : i32
    %dma_wait3A_129 = tpu.memref_slice %arg9[%dma_wait3A_127, %dma_wait3A_128] : memref<80x128xf32, #tpu.memory_space<vmem>> -> memref<40x128xf32, #tpu.memory_space<vmem>>
    %dma_wait3A_130 = arith.constant 0 : i32
    %dma_wait3A_131 = tpu.memref_slice %arg7[%dma_wait3A_130] : memref<10000xi32, #tpu.memory_space<vmem>> -> memref<40xi32, #tpu.memory_space<vmem>>
    %dma_wait3A_132 = arith.constant 0 : i32
    %dma_wait3A_133 = arith.constant 0 : i32
    %dma_wait3A_134 = tpu.memref_slice %arg2[%dma_wait3A_132, %dma_wait3A_133] : memref<10000x128xf32, #tpu.memory_space<hbm>> -> memref<10000x128xf32, #tpu.memory_space<hbm>>
    tpu.wait_indirect_dma semaphore(%arg12 : memref<!tpu.dma_semaphore, #tpu.memory_space<semaphore_mem>>) src(%dma_wait3A_134 : memref<10000x128xf32, #tpu.memory_space<hbm>>) dst(%dma_wait3A_129 : memref<40x128xf32, #tpu.memory_space<vmem>>)
    %dma_wait3A_135 = arith.constant 40 : i32
    %dma_wait3A_136 = arith.constant 0 : i32
    %dma_wait3A_137 = tpu.memref_slice %arg9[%dma_wait3A_135, %dma_wait3A_136] : memref<80x128xf32, #tpu.memory_space<vmem>> -> memref<40x128xf32, #tpu.memory_space<vmem>>
    %dma_wait3A_138 = arith.constant 0 : i32
    %dma_wait3A_139 = tpu.memref_slice %arg7[%dma_wait3A_138] : memref<10000xi32, #tpu.memory_space<vmem>> -> memref<40xi32, #tpu.memory_space<vmem>>
    %dma_wait3A_140 = arith.constant 0 : i32
    %dma_wait3A_141 = arith.constant 0 : i32
    %dma_wait3A_142 = tpu.memref_slice %arg2[%dma_wait3A_140, %dma_wait3A_141] : memref<10000x128xf32, #tpu.memory_space<hbm>> -> memref<10000x128xf32, #tpu.memory_space<hbm>>
    tpu.wait_indirect_dma semaphore(%arg14 : memref<!tpu.dma_semaphore, #tpu.memory_space<semaphore_mem>>) src(%dma_wait3A_142 : memref<10000x128xf32, #tpu.memory_space<hbm>>) dst(%dma_wait3A_137 : memref<40x128xf32, #tpu.memory_space<vmem>>)
    %run_scoped3A_143 = arith.constant 124 : i32
    "tpu.region"() ({
      %run_scoped3A_149 = tpu.sem_alloc : memref<!tpu.dma_semaphore, #tpu.memory_space<semaphore_mem>>
      %dma_start3A_150 = arith.constant 0 : i32
      %dma_start3A_151 = tpu.memref_slice %arg8[%run_scoped3A_143, %dma_start3A_150] : memref<125x80xi32, #tpu.memory_space<vmem>> -> memref<1x80xi32, #tpu.memory_space<vmem>>
      %dma_start3A_152 = tpu.memref_squeeze %dma_start3A_151 : memref<1x80xi32, #tpu.memory_space<vmem>> -> memref<80xi32, #tpu.memory_space<vmem>>
      %dma_start3A_153 = arith.constant 0 : i32
      %dma_start3A_154 = arith.constant 0 : i32
      %dma_start3A_155 = tpu.memref_slice %arg11[%dma_start3A_153, %dma_start3A_154] : memref<10240x128xf32, #tpu.memory_space<vmem_shared>> -> memref<10240x128xf32, #tpu.memory_space<vmem_shared>>
      tpu.enqueue_indirect_dma source(%arg9 : memref<80x128xf32, #tpu.memory_space<vmem>>) target(%dma_start3A_155 : memref<10240x128xf32, #tpu.memory_space<vmem_shared>>) offsets(%dma_start3A_152 : memref<80xi32, #tpu.memory_space<vmem>>) semaphore(%run_scoped3A_149 : memref<!tpu.dma_semaphore, #tpu.memory_space<semaphore_mem>>) {add = true}
      %dma_wait3A_156 = arith.constant 0 : i32
      %dma_wait3A_157 = tpu.memref_slice %arg8[%run_scoped3A_143, %dma_wait3A_156] : memref<125x80xi32, #tpu.memory_space<vmem>> -> memref<1x80xi32, #tpu.memory_space<vmem>>
      %dma_wait3A_158 = tpu.memref_squeeze %dma_wait3A_157 : memref<1x80xi32, #tpu.memory_space<vmem>> -> memref<80xi32, #tpu.memory_space<vmem>>
      %dma_wait3A_159 = arith.constant 0 : i32
      %dma_wait3A_160 = arith.constant 0 : i32
      %dma_wait3A_161 = tpu.memref_slice %arg11[%dma_wait3A_159, %dma_wait3A_160] : memref<10240x128xf32, #tpu.memory_space<vmem_shared>> -> memref<10240x128xf32, #tpu.memory_space<vmem_shared>>
      tpu.wait_indirect_dma semaphore(%run_scoped3A_149 : memref<!tpu.dma_semaphore, #tpu.memory_space<semaphore_mem>>) src(%arg9 : memref<80x128xf32, #tpu.memory_space<vmem>>) dst(%dma_wait3A_161 : memref<10240x128xf32, #tpu.memory_space<vmem_shared>>)
      tpu.yield
    }) : () -> ()
    %barrier3A_144 = arith.constant 0 : index
    tpu.barrier barrier_id(%barrier3A_144)
    %mul3A_145 = arith.constant 640 : i32
    %mul3A_146 = arith.muli %arg1, %mul3A_145 : i32
    %mul3A_147 = arith.constant 640 : i32
    %mul3A_148 = arith.muli %arg1, %mul3A_147 : i32
    "tpu.region"() ({
      %run_scoped3A_149 = tpu.sem_alloc : memref<!tpu.dma_semaphore, #tpu.memory_space<semaphore_mem>>
      %dma_start3A_150 = arith.constant 0 : i32
      %dma_start3A_151 = tpu.memref_slice %arg6[%arg0, %mul3A_148, %dma_start3A_150] : memref<2x10240x128xf32, #tpu.memory_space<hbm>> -> memref<1x640x128xf32, #tpu.memory_space<hbm>>
      %dma_start3A_152 = tpu.memref_squeeze %dma_start3A_151 : memref<1x640x128xf32, #tpu.memory_space<hbm>> -> memref<640x128xf32, #tpu.memory_space<hbm>>
      %dma_start3A_153 = arith.constant 0 : i32
      %dma_start3A_154 = tpu.memref_slice %arg11[%mul3A_146, %dma_start3A_153] : memref<10240x128xf32, #tpu.memory_space<vmem_shared>> -> memref<640x128xf32, #tpu.memory_space<vmem_shared>>
      tpu.enqueue_dma source(%dma_start3A_154 : memref<640x128xf32, #tpu.memory_space<vmem_shared>>) target(%dma_start3A_152 : memref<640x128xf32, #tpu.memory_space<hbm>>) target_semaphore(%run_scoped3A_149 : memref<!tpu.dma_semaphore, #tpu.memory_space<semaphore_mem>>)
      %dma_wait3A_155 = arith.constant 0 : i32
      %dma_wait3A_156 = tpu.memref_slice %arg6[%arg0, %mul3A_148, %dma_wait3A_155] : memref<2x10240x128xf32, #tpu.memory_space<hbm>> -> memref<1x640x128xf32, #tpu.memory_space<hbm>>
      %dma_wait3A_157 = tpu.memref_squeeze %dma_wait3A_156 : memref<1x640x128xf32, #tpu.memory_space<hbm>> -> memref<640x128xf32, #tpu.memory_space<hbm>>
      %dma_wait3A_158 = arith.constant 0 : i32
      %dma_wait3A_159 = tpu.memref_slice %arg11[%mul3A_146, %dma_wait3A_158] : memref<10240x128xf32, #tpu.memory_space<vmem_shared>> -> memref<640x128xf32, #tpu.memory_space<vmem_shared>>
      tpu.wait_dma2 semaphore(%run_scoped3A_149 : memref<!tpu.dma_semaphore, #tpu.memory_space<semaphore_mem>>) src(%dma_wait3A_159 : memref<640x128xf32, #tpu.memory_space<vmem_shared>>) dst(%dma_wait3A_157 : memref<640x128xf32, #tpu.memory_space<hbm>>)
      tpu.yield
    }) : () -> ()
    return
  }
}

module attributes {stable_mosaic.version = 14 : i64} {
  func.func @_tc_mm1_body(%arg0: memref<10000x128xf32, #tpu.memory_space<vmem>>, %arg1: memref<4x1x10000xf32, #tpu.memory_space<vmem>>, %arg2: memref<128x128xf32, #tpu.memory_space<vmem>>, %arg3: memref<10000x128xf32, #tpu.memory_space<vmem>>) attributes {dimension_semantics = [], scalar_prefetch = 0 : i64, scratch_operands = 0 : i64, tpu.core_type = #tpu.core_type<tc>} {
    %get3A = arith.constant 0 : index
    %get3A_0 = arith.constant 0 : index
    %get3A_1 = arith.constant 0 : index
    %get3A_2 = vector.load %arg1[%get3A, %get3A_0, %get3A_1] : memref<4x1x10000xf32, #tpu.memory_space<vmem>>, vector<1x1x10000xf32>
    %get3A_3 = vector.shape_cast %get3A_2 : vector<1x1x10000xf32> to vector<1x10000xf32>
    %get3A_4 = arith.constant 2 : index
    %get3A_5 = arith.constant 0 : index
    %get3A_6 = arith.constant 0 : index
    %get3A_7 = vector.load %arg1[%get3A_4, %get3A_5, %get3A_6] : memref<4x1x10000xf32, #tpu.memory_space<vmem>>, vector<1x1x10000xf32>
    %get3A_8 = vector.shape_cast %get3A_7 : vector<1x1x10000xf32> to vector<1x10000xf32>
    %add3A = arith.addf %get3A_3, %get3A_8 : vector<1x10000xf32>
    %jit3A = arith.constant 1.000000e+00 : f32
    %max3A = vector.broadcast %jit3A : f32 to vector<1x10000xf32>
    %max3A_9 = arith.maximumf %max3A, %add3A : vector<1x10000xf32>
    %rsqrt3A = math.rsqrt %max3A_9 : vector<1x10000xf32>
    %reshape3A = vector.shape_cast %rsqrt3A : vector<1x10000xf32> to vector<10000x1xf32>
    %get3A_10 = arith.constant 0 : index
    %get3A_11 = arith.constant 0 : index
    %get3A_12 = vector.load %arg0[%get3A_10, %get3A_11] : memref<10000x128xf32, #tpu.memory_space<vmem>>, vector<10000x128xf32>
    %mul3A = vector.broadcast %reshape3A : vector<10000x1xf32> to vector<10000x128xf32>
    %mul3A_13 = arith.mulf %get3A_12, %mul3A : vector<10000x128xf32>
    %get3A_14 = arith.constant 0 : index
    %get3A_15 = arith.constant 0 : index
    %get3A_16 = vector.load %arg2[%get3A_14, %get3A_15] : memref<128x128xf32, #tpu.memory_space<vmem>>, vector<128x128xf32>
    %dot_general3A = arith.constant dense<0.000000e+00> : vector<10000x128xf32>
    %dot_general3A_17 = tpu.matmul %mul3A_13, %get3A_16, %dot_general3A {dimension_numbers = #tpu.dot_dimension_numbers<[1], [0], [0], [1], [0, 0, 1, 1], [], []>, transpose_lhs_hint = false} : vector<10000x128xf32>, vector<128x128xf32>, vector<10000x128xf32> -> vector<10000x128xf32>
    %swap3A = arith.constant 0 : index
    %swap3A_18 = arith.constant 0 : index
    %swap3A_19 = vector.load %arg3[%swap3A, %swap3A_18] : memref<10000x128xf32, #tpu.memory_space<vmem>>, vector<10000x128xf32>
    tpu.vector_store %arg3[%swap3A, %swap3A_18], %dot_general3A_17 {strides = array<i32>} : memref<10000x128xf32, #tpu.memory_space<vmem>>, vector<10000x128xf32>,
    return
  }
}

module attributes {stable_mosaic.version = 14 : i64} {
  func.func @_tc_mm2_body(%arg0: memref<2x10240x128xf32, #tpu.memory_space<vmem>>, %arg1: memref<4x1x10000xf32, #tpu.memory_space<vmem>>, %arg2: memref<1x128xf32, #tpu.memory_space<vmem>>, %arg3: memref<128x128xf32, #tpu.memory_space<vmem>>, %arg4: memref<10000x128xf32, #tpu.memory_space<vmem>>) attributes {dimension_semantics = [], scalar_prefetch = 0 : i64, scratch_operands = 0 : i64, tpu.core_type = #tpu.core_type<tc>} {
    %get3A = arith.constant 0 : index
    %get3A_0 = arith.constant 0 : index
    %get3A_1 = arith.constant 0 : index
    %get3A_2 = vector.load %arg1[%get3A, %get3A_0, %get3A_1] : memref<4x1x10000xf32, #tpu.memory_space<vmem>>, vector<1x1x10000xf32>
    %get3A_3 = vector.shape_cast %get3A_2 : vector<1x1x10000xf32> to vector<1x10000xf32>
    %get3A_4 = arith.constant 2 : index
    %get3A_5 = arith.constant 0 : index
    %get3A_6 = arith.constant 0 : index
    %get3A_7 = vector.load %arg1[%get3A_4, %get3A_5, %get3A_6] : memref<4x1x10000xf32, #tpu.memory_space<vmem>>, vector<1x1x10000xf32>
    %get3A_8 = vector.shape_cast %get3A_7 : vector<1x1x10000xf32> to vector<1x10000xf32>
    %add3A = arith.addf %get3A_3, %get3A_8 : vector<1x10000xf32>
    %jit3A = arith.constant 1.000000e+00 : f32
    %max3A = vector.broadcast %jit3A : f32 to vector<1x10000xf32>
    %max3A_9 = arith.maximumf %max3A, %add3A : vector<1x10000xf32>
    %rsqrt3A = math.rsqrt %max3A_9 : vector<1x10000xf32>
    %reshape3A = vector.shape_cast %rsqrt3A : vector<1x10000xf32> to vector<10000x1xf32>
    %get3A_10 = arith.constant 1 : index
    %get3A_11 = arith.constant 0 : index
    %get3A_12 = arith.constant 0 : index
    %get3A_13 = vector.load %arg1[%get3A_10, %get3A_11, %get3A_12] : memref<4x1x10000xf32, #tpu.memory_space<vmem>>, vector<1x1x10000xf32>
    %get3A_14 = vector.shape_cast %get3A_13 : vector<1x1x10000xf32> to vector<1x10000xf32>
    %get3A_15 = arith.constant 3 : index
    %get3A_16 = arith.constant 0 : index
    %get3A_17 = arith.constant 0 : index
    %get3A_18 = vector.load %arg1[%get3A_15, %get3A_16, %get3A_17] : memref<4x1x10000xf32, #tpu.memory_space<vmem>>, vector<1x1x10000xf32>
    %get3A_19 = vector.shape_cast %get3A_18 : vector<1x1x10000xf32> to vector<1x10000xf32>
    %add3A_20 = arith.addf %get3A_14, %get3A_19 : vector<1x10000xf32>
    %jit3A_21 = arith.constant 1.000000e+00 : f32
    %max3A_22 = vector.broadcast %jit3A_21 : f32 to vector<1x10000xf32>
    %max3A_23 = arith.maximumf %max3A_22, %add3A_20 : vector<1x10000xf32>
    %rsqrt3A_24 = math.rsqrt %max3A_23 : vector<1x10000xf32>
    %reshape3A_25 = vector.shape_cast %rsqrt3A_24 : vector<1x10000xf32> to vector<10000x1xf32>
    %get3A_26 = arith.constant 0 : index
    %get3A_27 = arith.constant 0 : index
    %get3A_28 = arith.constant 0 : index
    %get3A_29 = vector.load %arg0[%get3A_26, %get3A_27, %get3A_28] : memref<2x10240x128xf32, #tpu.memory_space<vmem>>, vector<1x10000x128xf32>
    %get3A_30 = vector.shape_cast %get3A_29 : vector<1x10000x128xf32> to vector<10000x128xf32>
    %get3A_31 = arith.constant 1 : index
    %get3A_32 = arith.constant 0 : index
    %get3A_33 = arith.constant 0 : index
    %get3A_34 = vector.load %arg0[%get3A_31, %get3A_32, %get3A_33] : memref<2x10240x128xf32, #tpu.memory_space<vmem>>, vector<1x10000x128xf32>
    %get3A_35 = vector.shape_cast %get3A_34 : vector<1x10000x128xf32> to vector<10000x128xf32>
    %add3A_36 = arith.addf %get3A_30, %get3A_35 : vector<10000x128xf32>
    %mul3A = vector.broadcast %reshape3A_25 : vector<10000x1xf32> to vector<10000x128xf32>
    %mul3A_37 = arith.mulf %add3A_36, %mul3A : vector<10000x128xf32>
    %get3A_38 = arith.constant 0 : index
    %get3A_39 = arith.constant 0 : index
    %get3A_40 = vector.load %arg2[%get3A_38, %get3A_39] : memref<1x128xf32, #tpu.memory_space<vmem>>, vector<1x128xf32>
    %add3A_41 = vector.broadcast %get3A_40 : vector<1x128xf32> to vector<10000x128xf32>
    %add3A_42 = arith.addf %mul3A_37, %add3A_41 : vector<10000x128xf32>
    %mul3A_43 = vector.broadcast %reshape3A : vector<10000x1xf32> to vector<10000x128xf32>
    %mul3A_44 = arith.mulf %add3A_42, %mul3A_43 : vector<10000x128xf32>
    %get3A_45 = arith.constant 0 : index
    %get3A_46 = arith.constant 0 : index
    %get3A_47 = vector.load %arg3[%get3A_45, %get3A_46] : memref<128x128xf32, #tpu.memory_space<vmem>>, vector<128x128xf32>
    %dot_general3A = arith.constant dense<0.000000e+00> : vector<10000x128xf32>
    %dot_general3A_48 = tpu.matmul %mul3A_44, %get3A_47, %dot_general3A {dimension_numbers = #tpu.dot_dimension_numbers<[1], [0], [0], [1], [0, 0, 1, 1], [], []>, transpose_lhs_hint = false} : vector<10000x128xf32>, vector<128x128xf32>, vector<10000x128xf32> -> vector<10000x128xf32>
    %swap3A = arith.constant 0 : index
    %swap3A_49 = arith.constant 0 : index
    %swap3A_50 = vector.load %arg4[%swap3A, %swap3A_49] : memref<10000x128xf32, #tpu.memory_space<vmem>>, vector<10000x128xf32>
    tpu.vector_store %arg4[%swap3A, %swap3A_49], %dot_general3A_48 {strides = array<i32>} : memref<10000x128xf32, #tpu.memory_space<vmem>>, vector<10000x128xf32>,
    return
  }
}

module attributes {stable_mosaic.version = 14 : i64} {
  func.func @_tc_fin_body(%arg0: memref<2x10240x128xf32, #tpu.memory_space<vmem>>, %arg1: memref<4x1x10000xf32, #tpu.memory_space<vmem>>, %arg2: memref<1x128xf32, #tpu.memory_space<vmem>>, %arg3: memref<10000x128xf32, #tpu.memory_space<vmem>>) attributes {dimension_semantics = [], scalar_prefetch = 0 : i64, scratch_operands = 0 : i64, tpu.core_type = #tpu.core_type<tc>} {
    %get3A = arith.constant 1 : index
    %get3A_0 = arith.constant 0 : index
    %get3A_1 = arith.constant 0 : index
    %get3A_2 = vector.load %arg1[%get3A, %get3A_0, %get3A_1] : memref<4x1x10000xf32, #tpu.memory_space<vmem>>, vector<1x1x10000xf32>
    %get3A_3 = vector.shape_cast %get3A_2 : vector<1x1x10000xf32> to vector<1x10000xf32>
    %get3A_4 = arith.constant 3 : index
    %get3A_5 = arith.constant 0 : index
    %get3A_6 = arith.constant 0 : index
    %get3A_7 = vector.load %arg1[%get3A_4, %get3A_5, %get3A_6] : memref<4x1x10000xf32, #tpu.memory_space<vmem>>, vector<1x1x10000xf32>
    %get3A_8 = vector.shape_cast %get3A_7 : vector<1x1x10000xf32> to vector<1x10000xf32>
    %add3A = arith.addf %get3A_3, %get3A_8 : vector<1x10000xf32>
    %jit3A = arith.constant 1.000000e+00 : f32
    %max3A = vector.broadcast %jit3A : f32 to vector<1x10000xf32>
    %max3A_9 = arith.maximumf %max3A, %add3A : vector<1x10000xf32>
    %rsqrt3A = math.rsqrt %max3A_9 : vector<1x10000xf32>
    %reshape3A = vector.shape_cast %rsqrt3A : vector<1x10000xf32> to vector<10000x1xf32>
    %get3A_10 = arith.constant 0 : index
    %get3A_11 = arith.constant 0 : index
    %get3A_12 = arith.constant 0 : index
    %get3A_13 = vector.load %arg0[%get3A_10, %get3A_11, %get3A_12] : memref<2x10240x128xf32, #tpu.memory_space<vmem>>, vector<1x10000x128xf32>
    %get3A_14 = vector.shape_cast %get3A_13 : vector<1x10000x128xf32> to vector<10000x128xf32>
    %get3A_15 = arith.constant 1 : index
    %get3A_16 = arith.constant 0 : index
    %get3A_17 = arith.constant 0 : index
    %get3A_18 = vector.load %arg0[%get3A_15, %get3A_16, %get3A_17] : memref<2x10240x128xf32, #tpu.memory_space<vmem>>, vector<1x10000x128xf32>
    %get3A_19 = vector.shape_cast %get3A_18 : vector<1x10000x128xf32> to vector<10000x128xf32>
    %add3A_20 = arith.addf %get3A_14, %get3A_19 : vector<10000x128xf32>
    %mul3A = vector.broadcast %reshape3A : vector<10000x1xf32> to vector<10000x128xf32>
    %mul3A_21 = arith.mulf %add3A_20, %mul3A : vector<10000x128xf32>
    %get3A_22 = arith.constant 0 : index
    %get3A_23 = arith.constant 0 : index
    %get3A_24 = vector.load %arg2[%get3A_22, %get3A_23] : memref<1x128xf32, #tpu.memory_space<vmem>>, vector<1x128xf32>
    %add3A_25 = vector.broadcast %get3A_24 : vector<1x128xf32> to vector<10000x128xf32>
    %add3A_26 = arith.addf %mul3A_21, %add3A_25 : vector<10000x128xf32>
    %swap3A = arith.constant 0 : index
    %swap3A_27 = arith.constant 0 : index
    %swap3A_28 = vector.load %arg3[%swap3A, %swap3A_27] : memref<10000x128xf32, #tpu.memory_space<vmem>>, vector<10000x128xf32>
    tpu.vector_store %arg3[%swap3A, %swap3A_27], %add3A_26 {strides = array<i32>} : memref<10000x128xf32, #tpu.memory_space<vmem>>, vector<10000x128xf32>,
    return
  }
}

</mosaic_0001>

<sc_bundles>
// kernel: kernel.11.cloned.1.call-start
scs
__scs_entry_jumppad:
0x0: {  	(pc) =	sbr.rel $0x88, $3  }
0x1: {  	(tag) =	ssettag $0x0;
	lr =	simm.s32 $0x1  }
0x2: {  	[smem:$0x3F9B] =	sst lr;
	_ =	strace $0xD0000000  }
0x3: {  	_ = 	snop  }
0x4: {  	_ = 	snop  }
0x5: {  	_ = 	snop  }
0x6: {  	_ = 	snop  }
0x7: {  	_ = 	snop  }
__scs_overlays_trampoline_lowered:
0x8: {  	[smem:$0x3FAA] =	sst s0  }
0x9: {  	[smem:$0x3FAB] =	sst s1  }
0xa: {  	[smem:$0x3FAC] =	sst s2  }
0xb: {  	[smem:$0x3FAD] =	sst s3  }
0xc: {  	[smem:$0x3FAE] =	sst s4  }
0xd: {  	[smem:$0x3FAF] =	sst s5  }
0xe: {  	[smem:$0x3FB0] =	sst s6  }
0xf: {  	[smem:$0x3FB1] =	sst s7  }
0x10: {  	[smem:$0x3FB2] =	sst s8  }
0x11: {  	[smem:$0x3FB3] =	sst s9;
	s0 =	simm.s32 @!p0 $0x0  }
0x12: {  	s1 =	sld [smem:$0x3F99];
	s0 =	simm.s32 @p0 $0x1  }
0x13: {  	[smem:$0x3FB4] =	sst s0;
	s0 =	simm.s32 @!p1 $0x0  }
0x14: {  	s2 =	sld [smem:$0x3F98];
	s0 =	simm.s32 @p1 $0x1  }
0x15: {  	[smem:$0x3FB5] =	sst s0;
	s0 =	simm.s32 @!p2 $0x0  }
0x16: {  	s3 =	sld [smem:$0x3FDB];
	s0 =	simm.s32 @p2 $0x1  }
0x17: {  	s4 =	simm.s32 $0x1BF5;
	[smem:$0x3FB7] =	sst s0  }
0x18: {  	s0 =	sld [smem:$0x3F9A];
	_ =	swait.ge [sflag:s4], $0x0  }
0x19: {  	s7 =	sld [smem:$0x3F9B]  }
0x1a: {  	s8 =	sadd.s32 $0xFFFFE003, lr  }
0x1b: {  	s9 =	sadd.s32 $0xFFFFFEF7, lr;
	s5 =	simm.s32 $0xFFFFFFFF;
	p2 =	slt.u32 s8, $0xFFFFF086  }
0x1c: {  	p1 =	slt.u32 s9, $0xF7A;
	s5 =	simm.s32 @!p2 $0x0  }
0x1d: {  	s5 =	simm.s32 @p1 $0x1;
	p0 =	seq.s32 s7, s2  }
0x1e: {  	s7 =	smul.u32 @!p0 $0xF7A, s2;
	p2 =	seq.s32 @!p0 s5, $0x0  }
0x1f: {  	s9 =	smul.u32 $0xF7A, s1;
	s8 =	simm.s32 @!p0 $0x1BF5;
	p2 =	por !p2, p0  }
0x20: {  	[sflag:s8] =	ssyncset.s32 @!p0 $0xFFFFF086;
	s6 =	sadd.s32 @!p0 s3, s7;
	s7 =	simm.s32 @!p0 $0x108  }
0x21: {  	s3 =	sadd.s32 s3, s9;
	s6 =	sadd.s32 @!p0 $0x88, s6;
	s7 =	simm.s32 @p2 $0x1082  }
0x22: {  	[simem:s7], [sflag:s8] =	dma.local @!p0 [hbm:s6], $0xF7A  }
0x23: {  	s9 =	sor.u32 $0xD0000000, s2;
	s6 =	simm.s32 $0x108;
	_ =	swait.ge @!p0 [sflag:s8], $0x0  }
0x24: {  	s3 =	sadd.s32 $0x88, s3;
	s6 =	simm.s32 @!p1 $0x1082;
	[sflag:s4] =	ssyncset.s32 $0xFFFFF086  }
0x25: {  	[simem:s6], [sflag:s4] =	dma.local [hbm:s3], $0xF7A  }
0x26: {  	[smem:$0x3F9B] =	sst s1;
	(tag) =	ssettag s2;
	_ =	strace s9  }
0x27: {  	s1 =	sld [smem:$0x3FAB]  }
0x28: {  	s2 =	sld [smem:$0x3FAC]  }
0x29: {  	s4 =	sld [smem:$0x3FAE]  }
0x2a: {  	p0 =	seq.s32 s5, $0x0;
	s5 =	sld [smem:$0x3FAF]  }
0x2b: {  	s6 =	sld [smem:$0x3FB0]  }
0x2c: {  	s7 =	sld [smem:$0x3FB1]  }
0x2d: {  	s3 =	simm.s32 $0x108;
	s8 =	sld [smem:$0x3FB2]  }
0x2e: {  	s3 =	simm.s32 @!p0 $0x1082;
	s9 =	sld [smem:$0x3FB3]  }
0x2f: {  	lr =	sadd.s32 s0, s3;
	s0 =	sld [smem:$0x3FAA]  }
0x30: {  	s3 =	sld [smem:$0x3FAD]  }
0x31: {  	[smem:$0x3FB6] =	sst s10  }
0x32: {  	s10 =	sld [smem:$0x3FB4];
	_ =	sdelay $0x3  }
0x33: {  	p0 =	seq.s32 s10, $0x1;
	s10 =	sld [smem:$0x3FB6];
	_ =	sdelay $0x3  }
0x34: {  	[smem:$0x3FB6] =	sst s10  }
0x35: {  	s10 =	sld [smem:$0x3FB5];
	_ =	sdelay $0x3  }
0x36: {  	p1 =	seq.s32 s10, $0x1;
	s10 =	sld [smem:$0x3FB6];
	_ =	sdelay $0x3  }
0x37: {  	[smem:$0x3FB6] =	sst s10  }
0x38: {  	s10 =	sld [smem:$0x3FB7]  }
0x39: {  	_ = 	snop;
	(pc) =	sbr.ind lr, $3  }
0x3a: {  	_ = 	snop  }
0x3b: {  	_ = 	snop  }
0x3c: {  	p2 =	seq.s32 s10, $0x1;
	s10 =	sld [smem:$0x3FB6]  }
0x3d: {  	_ =	shalt  }
0x3e: {  	_ =	shalt  }
0x3f: {  	_ =	shalt  }
0x40: {  	_ =	shalt  }
0x41: {  	_ =	shalt  }
0x42: {  	_ =	shalt  }
0x43: {  	_ =	shalt  }
0x44: {  	_ =	shalt  }
0x45: {  	_ =	shalt  }
0x46: {  	_ =	shalt  }
0x47: {  	_ =	shalt  }
0x48: {  	_ =	shalt  }
0x49: {  	_ =	shalt  }
0x4a: {  	_ =	shalt  }
0x4b: {  	_ =	shalt  }
0x4c: {  	_ =	shalt  }
0x4d: {  	_ =	shalt  }
0x4e: {  	_ =	shalt  }
0x4f: {  	_ =	shalt  }
0x50: {  	_ =	shalt  }
0x51: {  	_ =	shalt  }
0x52: {  	_ =	shalt  }
0x53: {  	_ =	shalt  }
0x54: {  	_ =	shalt  }
0x55: {  	_ =	shalt  }
0x56: {  	_ =	shalt  }
0x57: {  	_ =	shalt  }
0x58: {  	_ =	shalt  }
0x59: {  	_ =	shalt  }
0x5a: {  	_ =	shalt  }
0x5b: {  	_ =	shalt  }
0x5c: {  	_ =	shalt  }
0x5d: {  	_ =	shalt  }
0x5e: {  	_ =	shalt  }
0x5f: {  	_ =	shalt  }
0x60: {  	_ =	shalt  }
0x61: {  	_ =	shalt  }
0x62: {  	_ =	shalt  }
0x63: {  	_ =	shalt  }
0x64: {  	_ =	shalt  }
0x65: {  	_ =	shalt  }
0x66: {  	_ =	shalt  }
0x67: {  	_ =	shalt  }
0x68: {  	_ =	shalt  }
0x69: {  	_ =	shalt  }
0x6a: {  	_ =	shalt  }
0x6b: {  	_ =	shalt  }
0x6c: {  	_ =	shalt  }
0x6d: {  	_ =	shalt  }
0x6e: {  	_ =	shalt  }
0x6f: {  	_ =	shalt  }
0x70: {  	_ =	shalt  }
0x71: {  	_ =	shalt  }
0x72: {  	_ =	shalt  }
0x73: {  	_ =	shalt  }
0x74: {  	_ =	shalt  }
0x75: {  	_ =	shalt  }
0x76: {  	_ =	shalt  }
0x77: {  	_ =	shalt  }
0x78: {  	_ =	shalt  }
0x79: {  	_ =	shalt  }
0x7a: {  	_ =	shalt  }
0x7b: {  	_ =	shalt  }
0x7c: {  	_ =	shalt  }
0x7d: {  	_ =	shalt  }
0x7e: {  	_ =	shalt  }
0x7f: {  	_ =	shalt  }
0x80: {  	_ =	shalt  }
0x81: {  	_ =	shalt  }
0x82: {  	_ =	shalt  }
0x83: {  	_ =	shalt  }
0x84: {  	_ =	shalt  }
0x85: {  	_ =	shalt  }
0x86: {  	_ =	shalt  }
0x87: {  	_ =	shalt  }
.Lfunc_end0:
.L_simem_size_0:
called_computation.1_lowered:
.L_overlay_start_0:
0x88: {  	s2 =	sld [smem:$0x3FD9]  }
0x89: {  	s3 =	sld [smem:$0x3FFE];
	_ =	sdelay $0x1  }
0x8a: {  	s1 =	srdreg.scid  }
0x8b: {  	s0 =	sand.u32 $0x1, s1  }
0x8c: {  	s17 =	sshll.u32 s0, $0xA;
	s2 =	sadd.s32 s3, s2  }
0x8d: {  	s2 =	sadd.s32 s2, s17  }
0x8e: {  	[smem:$0x3FC2] =	sst s2  }
0x8f: {  	_ = 	snop  }
0x90: {  	s2 =	sld [smem:$0x3FD0];
	(tm) =	ssettm $0x1  }
0x91: {  	s18 =	sld [smem:$0x3FFB];
	_ =	sdelay $0x3  }
0x92: {  	_ =	strace s18  }
0x93: {  	s3 =	sld [smem:$0x3FFC];
	_ =	sdelay $0x3  }
0x94: {  	_ =	strace s3  }
0x95: {  	s3 =	sld [smem:$0x3FFD];
	_ =	sdelay $0x3  }
0x96: {  	_ =	strace s3  }
0x97: {  	_ =	strace $0x8FFFFFFF  }
0x98: {  	s19 =	sld [smem:$0x3FDB];
	_ =	sdelay $0x1  }
0x99: {  	s4 =	simm.s32 $_scs_section_size  }
0x9a: {  	s5 =	simm.s32 $_size__tile_overlayer_lowered;
	s6 =	simm.s32 $_tile_overlayer_lowered  }
0x9b: {  	s22 =	simm.s32 $0x1BFF;
	s21 =	sshll.u32 s6, $0x1;
	s3 =	sadd.s32 s4, s19  }
0x9c: {  	s7 =	simm.s32 $0x0;
	s20 =	sshll.u32 s5, $0x1;
	s5 =	sadd.s32 s21, s3  }
0x9d: {  	[timem:s7], [sflag:s22] =	dma.local [hbm:s5], s20  }
0x9e: {  	_ =	swait.ge [sflag:s22], s20  }
0x9f: {  	s4 =	ssub.s32 $0x0, s20;
	[sflag:s22] =	ssyncset.done $0x0  }
0xa0: {  	[sflag:s22] =	ssyncadd.s32 s4;
	_ =	sdelay $0x1  }
0xa1: {  	s23 =	simm.s32 $0x1B8B  }
0xa2: {  	_ =	swait.ge [sflag:s23], $0x1  }
0xa3: {  	[sflag:s23] =	ssyncset.done $0x0  }
0xa4: {  	s25 =	simm.s32 $0x1B8E;
	s24 =	sld [smem:$0x3FFE];
	[sflag:s23] =	ssyncadd.s32 $0xFFFFFFFF  }
0xa5: {  	s26 =	simm.s32 $execute0_lowered;
	[smem:$0x3FD2] =	sst s25  }
0xa6: {  	s5 =	sshll.u32 s26, $0x1;
	_ =	strace $0x80000049;
	[dreg:$0x1] =	wrdreg $0xFFFFFFFF  }
0xa7: {  	s28 =	simm.s32 $_size_execute0_lowered;
	s3 =	sadd.s32 s3, s5;
	[dreg:$0x0] =	wrdreg $0x0  }
0xa8: {  	s5 =	sshll.u32 s28, $0x1;
	[dreg:$0x2] =	wrdreg s3  }
0xa9: {  	[dreg:$0x3] =	wrdreg s5  }
0xaa: {  	[dreg:$0x4] =	wrdreg $0xC0  }
0xab: {  	_ =	task [dreg:s7], $0x5FFFF  }
0xac: {  	[dreg:$0x1] =	wrdreg $0xFFFFFFFF  }
0xad: {  	[dreg:$0x0] =	wrdreg $0x60  }
0xae: {  	[dreg:$0x2] =	wrdreg s2  }
0xaf: {  	[dreg:$0x3] =	wrdreg s24  }
0xb0: {  	[dreg:$0x4] =	wrdreg $0xB7800  }
0xb1: {  	[dreg:$0x5] =	wrdreg $0x9  }
0xb2: {  	_ =	task.clear_ibuf [dreg:s7], $0x6FFFF;
	_ =	strace $0x90000049  }
0xb3: {  	s29 =	simm.s32 $0x9;
	_ =	strace $0x8000004B  }
0xb4: {  	_ =	swait.ge [sflag:s29], $0x1  }
0xb5: {  	[sflag:s29] =	ssyncadd.s32 $0xFFFFFFFF  }
0xb6: {  	_ =	strace $0x9000004B  }
0xb7: {  	_ =	sfence  }
0xb8: {  	s30 =	sld [smem:$0x0];
	_ =	sdelay $0x2  }
0xb9: {  	s31 =	sshll.u32 s1, $0xD;
	s1 =	sshrl.u32 s1, $0x2  }
0xba: {  	s3 =	sand.u32 $0x4000, s31;
	s1 =	sadd.s32 s1, s30  }
0xbb: {  	s0 =	sor.u32 s3, s0;
	s1 =	sshll.u32 s1, $0x11  }
0xbc: {  	s0 =	sor.u32 s1, s0  }
0xbd: {  	s0 =	sadd.s32 $0x8F2B, s0  }
0xbe: {  	[sflag:s0] =	ssyncadd.remote.s32 $0x1  }
0xbf: {  	_ =	sfence.sel $0xFFFF  }
0xc0: {  	[dreg:$0x0] =	wrdreg $0xFFFFFFFF;
	(pc) =	sbr.abs _section_cstart, $3  }
0xc1: {  	[dreg:$0x1] =	wrdreg $0xFFFFFFFF  }
0xc2: {  	_ =	task.clear_ibuf [dreg:s7], $0x2FFFF;
	_ =	strace $0x9FFFFFFF  }
0xc3: {  	(tm) =	ssettm $0x7FFFFFFF  }
tec
execute0_lowered:
.L_overlay_start_1:
0x0: {  	(tag) =	ssettag $0x1  }
0x1: {  	s0 =	srdreg.scid;
	s2 =	rddreg [dreg:$0x0]  }
0x2: {  	s11 =	stileid.u32;
	s5 =	rddreg [dreg:$0x1]  }
0x3: {  	s3 =	rddreg [dreg:$0x2];
	s4 =	simm.s32 $0x0;
	s14 =	simm.s32 $0x6  }
0x4: {  	s15 =	simm.s32 $0x28;
	s16 =	simm.s32 $0x6780;
	s17 =	simm.s32 $0x7B80  }
0x5: {  	s18 =	simm.s32 $0x50;
	s19 =	simm.s32 $0x8F80;
	s21 =	simm.s32 $0xA380  }
0x6: {  	s22 =	simm.s32 $0x7;
	s23 =	simm.s32 $0x5;
	s24 =	simm.s32 $0x1  }
0x7: {  	s28 =	simm.s32 $0x2;
	s29 =	simm.s32 $0x4;
	s7 =	smul.u32 $0x14000, s11  }
0x8: {  	s0 =	sand.u32 $0x1, s0;
	s1 =	sshll.u32 s11, $0x1;
	s26 =	smul.u32 $0x50000, s11  }
0x9: {  	s13 =	simm.s32 $0x6580;
	s1 =	sor.u32 s0, s1;
	s8 =	smul.u32 $0x140000, s0  }
0xa: {  	s20 =	simm.s32 $0x0;
	[smem:$0x7FF] =	sst s4;
	s6 =	smul.u32 $0x4E2, s1  }
0xb: {  	_ =	strace $0x8000004A;
	s0 =	ssub.s32 $0x2, s0;
	s1 =	smul.u32 $0x7D0, s1  }
0xc: {  	s25 =	sshrl.u32 s7, $0x3;
	s30 =	sshrl.u32 s0, $0x1;
	s31 =	sshrl.u32 s26, $0x2  }
0xd: {  	s26 =	simm.s32 $0x8;
	s7 =	sadd.s32 s7, s8;
	s0 =	ssub.s32 s0, s30  }
0xe: {  	s12 =	sadd.s32 s31, s3;
	s9 =	sadd.s32 s6, s5;
	s1 =	sadd.s32 s1, s5  }
0xf: {  	s7 =	sshrl.u32 s7, $0x3;
	s6 =	sadd.s32 s25, s5;
	s12 =	sshrl.u32 s12, $0x3  }
0x10: {  	s25 =	simm.s32 $0x3;
	s10 =	sadd.s32 s7, s5;
	s5 =	sshll.u32 s11, $0x6  }
0x11: {  	s6 =	sadd.s32 $0x1B800, s6;
	s8 =	sadd.s32 $0x2000, s9;
	s9 =	sadd.s32 $0xBE00, s1  }
0x12: {  	s11 =	smax.u32 s0, $0x1;
	s7 =	sor.u32 $0x1C05, s5;
	s10 =	sadd.s32 $0x43800, s10  }
.LBB2_1:
0x13: {  	[spmem:s12], [sflag:s7] =	dma.local [hbm:s6], $0x2800  }
0x14: {  	[tilespmem:s4], [sflag:$0x6] =	stream.linear.gather [hbm4b:s8+s4], $0x2710, $0x38;
	[tilespmem:$0x1F780] =	vst v63  }
0x15: {  	s0 =	simm.s32 $0x2780  }
0x16: {  	[tilespmem:s0], [sflag:$0x7] =	stream.linear.gather [hbm4b:s9+s4], $0x3E80, $0x38;
	[tilespmem:$0x1F780] =	vst v63  }
0x17: {  	_ =	swait.ge [sflag:s14], $0x2710  }
0x18: {  	[sflag:s14] =	ssyncset.done $0x0  }
0x19: {  	[sflag:s14] =	ssyncadd.s32 $0xFFFFD8F0  }
0x1a: {  	[tilespmem:s16], [sflag:$0x1] =	stream.indirect.gather [hbm4b:s2+s15], $0x80, s4, s15, $0xb8;
	[tilespmem:$0x1F780] =	vst v63  }
0x1b: {  	_ = 	snop  }
0x1c: {  	[tilespmem:s17], [sflag:$0x3] =	stream.indirect.gather [hbm4b:s2+s15], $0x80, s15, s15, $0xb8;
	[tilespmem:$0x1F780] =	vst v63  }
0x1d: {  	_ = 	snop  }
0x1e: {  	[tilespmem:s19], [sflag:$0x2] =	stream.indirect.gather [hbm4b:s2+s15], $0x80, s18, s15, $0xb8;
	[tilespmem:$0x1F780] =	vst v63  }
0x1f: {  	s1 =	simm.s32 $0x78  }
0x20: {  	[tilespmem:s21], [sflag:$0x4] =	stream.indirect.gather [hbm4b:s2+s15], $0x80, s1, s15, $0xb8;
	[tilespmem:$0x1F780] =	vst v63  }
0x21: {  	_ =	swait.ge [sflag:s22], $0x3E80  }
0x22: {  	[sflag:s22] =	ssyncset.done $0x0  }
0x23: {  	[sflag:s22] =	ssyncadd.s32 $0xFFFFC180  }
0x24: {  	_ =	swait.ge [sflag:s23], $0x2800  }
0x25: {  	[sflag:s23] =	ssyncset.done $0x0  }
0x26: {  	[sflag:s23] =	ssyncadd.s32 $0xFFFFD800  }
0x27: {  	[bflag:$0x0] =	sbarrier.arrive $0xFFFF  }
0x28: {  	_ =	swait.ge [sflag:s24], $0x1400  }
0x29: {  	[sflag:s24] =	ssyncset.done $0x0  }
0x2a: {  	[sflag:s24] =	ssyncadd.s32 $0xFFFFEC00  }
0x2b: {  	_ =	swait.ge [sflag:s25], $0x1400  }
0x2c: {  	[sflag:s25] =	ssyncset.done $0x0  }
0x2d: {  	s1 =	simm.s32 $0x2780;
	[sflag:s25] =	ssyncadd.s32 $0xFFFFEC00  }
0x2e: {  	[spmem:s3] =	stream.indirect.scatter.add.f32 [tilespmem:s16], [sflag:$0x8], $0x80, s1, s18, $0xb8;
	[tilespmem:$0x1F780] =	vst v63  }
0x2f: {  	_ =	swait.ge [sflag:s26], $0x2800  }
0x30: {  	[sflag:s26] =	ssyncset.done $0x0  }
0x31: {  	s0 =	simm.s32 $0xA0;
	[sflag:s26] =	ssyncadd.s32 $0xFFFFD800  }
0x32: {  	[tilespmem:s16], [sflag:$0x1] =	stream.indirect.gather [hbm4b:s2+s15], $0x80, s0, s15, $0xb8;
	[tilespmem:$0x1F780] =	vst v63  }
0x33: {  	s0 =	simm.s32 $0xC8  }
0x34: {  	[tilespmem:s17], [sflag:$0x3] =	stream.indirect.gather [hbm4b:s2+s15], $0x80, s0, s15, $0xb8;
	[tilespmem:$0x1F780] =	vst v63  }
0x35: {  	_ =	swait.ge [sflag:s28], $0x1400  }
0x36: {  	[sflag:s28] =	ssyncset.done $0x0  }
0x37: {  	[sflag:s28] =	ssyncadd.s32 $0xFFFFEC00  }
0x38: {  	_ =	swait.ge [sflag:s29], $0x1400  }
0x39: {  	[sflag:s29] =	ssyncset.done $0x0  }
0x3a: {  	s0 =	simm.s32 $0x2800;
	[sflag:s29] =	ssyncadd.s32 $0xFFFFEC00  }
0x3b: {  	[spmem:s3] =	stream.indirect.scatter.add.f32 [tilespmem:s19], [sflag:$0x8], $0x80, s0, s18, $0xb8;
	[tilespmem:$0x1F780] =	vst v63  }
0x3c: {  	_ =	swait.ge [sflag:s26], $0x2800  }
0x3d: {  	s30 =	simm.s32 $0x280;
	s31 =	simm.s32 $0x2900;
	[sflag:s26] =	ssyncset.done $0x0  }
0x3e: {  	s1 =	simm.s32 $0x118;
	s0 =	simm.s32 $0xF0;
	[sflag:s26] =	ssyncadd.s32 $0xFFFFD800  }
0x3f: {  	[tilespmem:s19], [sflag:$0x2] =	stream.indirect.gather [hbm4b:s2+s15], $0x80, s0, s15, $0xb8;
	[tilespmem:$0x1F780] =	vst v63  }
.LBB2_2:
0x40: {  	[tilespmem:s21], [sflag:$0x4] =	stream.indirect.gather [hbm4b:s2+s15], $0x80, s1, s15, $0xb8;
	[tilespmem:$0x1F780] =	vst v63  }
0x41: {  	s1 =	smov.u32 s30  }
0x42: {  	p0 =	sne.s32 s30, $0x9600;
	s30 =	sadd.s32 $0x280, s30;
	_ =	swait.ge [sflag:s24], $0x1400  }
0x43: {  	[sflag:s24] =	ssyncset.done $0x0  }
0x44: {  	[sflag:s24] =	ssyncadd.s32 $0xFFFFEC00  }
0x45: {  	_ =	swait.ge [sflag:s25], $0x1400  }
0x46: {  	[sflag:s25] =	ssyncset.done $0x0  }
0x47: {  	s0 =	sadd.s32 $0xFFFFFF80, s31;
	[sflag:s25] =	ssyncadd.s32 $0xFFFFEC00  }
0x48: {  	[spmem:s3] =	stream.indirect.scatter.add.f32 [tilespmem:s16], [sflag:$0x8], $0x80, s0, s18, $0xb8;
	[tilespmem:$0x1F780] =	vst v63  }
0x49: {  	_ =	swait.ge [sflag:s26], $0x2800  }
0x4a: {  	s0 =	sshra.s32 s1, $0x2;
	[sflag:s26] =	ssyncset.done $0x0  }
0x4b: {  	s1 =	sadd.s32 $0xA0, s0;
	[sflag:s26] =	ssyncadd.s32 $0xFFFFD800  }
0x4c: {  	[tilespmem:s16], [sflag:$0x1] =	stream.indirect.gather [hbm4b:s2+s15], $0x80, s1, s15, $0xb8;
	[tilespmem:$0x1F780] =	vst v63  }
0x4d: {  	s1 =	sadd.s32 $0xC8, s0  }
0x4e: {  	[tilespmem:s17], [sflag:$0x3] =	stream.indirect.gather [hbm4b:s2+s15], $0x80, s1, s15, $0xb8;
	[tilespmem:$0x1F780] =	vst v63  }
0x4f: {  	_ =	swait.ge [sflag:s28], $0x1400  }
0x50: {  	[sflag:s28] =	ssyncset.done $0x0  }
0x51: {  	[sflag:s28] =	ssyncadd.s32 $0xFFFFEC00  }
0x52: {  	_ =	swait.ge [sflag:s29], $0x1400  }
0x53: {  	[sflag:s29] =	ssyncset.done $0x0  }
0x54: {  	[sflag:s29] =	ssyncadd.s32 $0xFFFFEC00  }
0x55: {  	[spmem:s3] =	stream.indirect.scatter.add.f32 [tilespmem:s19], [sflag:$0x8], $0x80, s31, s18, $0xb8;
	[tilespmem:$0x1F780] =	vst v63  }
.Ltmp0:
0x56: {  	_ =	swait.ge [sflag:s26], $0x2800;
	(pc) =	sbr.rel @p0 .LBB2_2-.Ltmp0, $4  }
0x57: {  	[sflag:s26] =	ssyncset.done $0x0  }
0x58: {  	s1 =	sadd.s32 $0xF0, s0;
	[sflag:s26] =	ssyncadd.s32 $0xFFFFD800  }
0x59: {  	[tilespmem:s19], [sflag:$0x2] =	stream.indirect.gather [hbm4b:s2+s15], $0x80, s1, s15, $0xb8;
	[tilespmem:$0x1F780] =	vst v63  }
0x5a: {  	s31 =	sadd.s32 $0x100, s31;
	s1 =	sadd.s32 $0x118, s0  }
0x5b: {  	[tilespmem:s21], [sflag:$0x4] =	stream.indirect.gather [hbm4b:s2+s15], $0x80, s1, s15, $0xb8;
	[tilespmem:$0x1F780] =	vst v63  }
0x5c: {  	_ =	swait.ge [sflag:s24], $0x1400  }
0x5d: {  	[sflag:s24] =	ssyncset.done $0x0  }
0x5e: {  	[sflag:s24] =	ssyncadd.s32 $0xFFFFEC00  }
0x5f: {  	_ =	swait.ge [sflag:s25], $0x1400  }
0x60: {  	[sflag:s25] =	ssyncset.done $0x0  }
0x61: {  	s0 =	simm.s32 $0x6480;
	[sflag:s25] =	ssyncadd.s32 $0xFFFFEC00  }
0x62: {  	[spmem:s3] =	stream.indirect.scatter.add.f32 [tilespmem:s16], [sflag:$0x8], $0x80, s0, s18, $0xb8;
	[tilespmem:$0x1F780] =	vst v63  }
0x63: {  	_ =	swait.ge [sflag:s26], $0x2800  }
0x64: {  	[sflag:s26] =	ssyncset.done $0x0  }
0x65: {  	s31 =	simm.s32 $0x26C0;
	[sflag:s26] =	ssyncadd.s32 $0xFFFFD800  }
0x66: {  	[tilespmem:s16], [sflag:$0x1] =	stream.indirect.gather [hbm4b:s2+s15], $0x80, s31, s15, $0xb8;
	[tilespmem:$0x1F780] =	vst v63  }
0x67: {  	s1 =	simm.s32 $0x26E8  }
0x68: {  	[tilespmem:s17], [sflag:$0x3] =	stream.indirect.gather [hbm4b:s2+s15], $0x80, s1, s15, $0xb8;
	[tilespmem:$0x1F780] =	vst v63  }
0x69: {  	_ =	swait.ge [sflag:s28], $0x1400  }
0x6a: {  	[sflag:s28] =	ssyncset.done $0x0  }
0x6b: {  	[sflag:s28] =	ssyncadd.s32 $0xFFFFEC00  }
0x6c: {  	_ =	swait.ge [sflag:s29], $0x1400  }
0x6d: {  	[sflag:s29] =	ssyncset.done $0x0  }
0x6e: {  	s30 =	simm.s32 $0x6500;
	[sflag:s29] =	ssyncadd.s32 $0xFFFFEC00  }
0x6f: {  	[spmem:s3] =	stream.indirect.scatter.add.f32 [tilespmem:s19], [sflag:$0x8], $0x80, s30, s18, $0xb8;
	[tilespmem:$0x1F780] =	vst v63  }
0x70: {  	_ =	swait.ge [sflag:s26], $0x2800  }
0x71: {  	[sflag:s26] =	ssyncset.done $0x0  }
0x72: {  	[sflag:s26] =	ssyncadd.s32 $0xFFFFD800  }
0x73: {  	_ =	swait.ge [sflag:s24], $0x1400  }
0x74: {  	[sflag:s24] =	ssyncset.done $0x0  }
0x75: {  	[sflag:s24] =	ssyncadd.s32 $0xFFFFEC00  }
0x76: {  	_ =	swait.ge [sflag:s25], $0x1400  }
0x77: {  	[sflag:s25] =	ssyncset.done $0x0  }
0x78: {  	[sflag:s25] =	ssyncadd.s32 $0xFFFFEC00  }
0x79: {  	[spmem:s3] =	stream.indirect.scatter.add.f32 [tilespmem:s16], [sflag:$0x8], $0x80, s13, s18, $0xb8;
	[tilespmem:$0x1F780] =	vst v63  }
0x7a: {  	_ =	swait.ge [sflag:s26], $0x2800  }
0x7b: {  	s20 =	sadd.s32 $0x1, s20;
	[sflag:s26] =	ssyncset.done $0x0  }
0x7c: {  	p0 =	sne.s32 s20, s11;
	[sflag:s26] =	ssyncadd.s32 $0xFFFFD800  }
.Ltmp1:
0x7d: {  	s31 =	sor.u32 $0x1C08, s5;
	[bflag:$0x0] =	sbarrier.arrive $0xFFFF;
	(pc) =	sbr.rel @p0 .LBB2_1-.Ltmp1, $4  }
0x7e: {  	[hbm:s10], [sflag:s31] =	dma.local [spmem:s12], $0x2800  }
0x7f: {  	_ =	swait.ge [sflag:s26], $0x2800  }
0x80: {  	[sflag:s26] =	ssyncset.done $0x0  }
0x81: {  	[sflag:s26] =	ssyncadd.s32 $0xFFFFD800  }
0x82: {  	_ =	sfence.sel $0x180000  }
0x83: {  	[bflag:$0x0] =	sbarrier.arrive $0xFFFF  }
0x84: {  	_ =	strace $0x9000004A  }
0x85: {  	s0 =	stileid.u32;
	[bflag:$0x2] =	sbarrier.arrive $0xFFFF  }
0x86: {  	p0 =	sne.s32 s0, $0x0;
	s0 =	rddreg [dreg:$0x3]  }
0x87: {  	s0 =	sadd.s32 @!p0 $0x100000, s0  }
0x88: {  	[sflag:s0] =	ssyncadd.tile.s32 @!p0 $0x1;
	_ =	shalt  }
.Lfunc_end2:
_tile_overlayer_lowered:
.L_overlay_start_2:
0x89: {  	(tag) =	ssettag $0x2  }
0x8a: {  	s0 =	rddreg [dreg:$0x0];
	s2 =	stileid.u32  }
0x8b: {  	s1 =	rddreg [dreg:$0x1];
	p0 =	sne.s32 s2, $0x0  }
0x8c: {  	s3 =	rddreg [dreg:$0x2];
	[bflag:$0x3] =	sbarrier.arrive $0xFFFF;
	s2 =	simm.s32 @!p0 $0x1C08  }
0x8d: {  	[timem:s3], [sflag:s2] =	dma.local @!p0 [hbm:s0], s1  }
0x8e: {  	s0 =	simm.s32 @!p0 $0x8  }
0x8f: {  	_ =	swait.ge @!p0 [sflag:s0], s1  }
0x90: {  	s1 =	ssub.s32 @!p0 $0x0, s1;
	[sflag:s0] =	ssyncset.done @!p0 $0x0  }
0x91: {  	[sflag:s0] =	ssyncadd.s32 @!p0 s1  }
0x92: {  	[bflag:$0x3] =	sbarrier.arrive $0xFFFF  }
0x93: {  	_ =	shalt  }

// kernel: kernel.14.cloned.1.call-start
scs
__scs_entry_jumppad:
0x0: {  	(pc) =	sbr.rel $0x88, $3  }
0x1: {  	(tag) =	ssettag $0x0;
	lr =	simm.s32 $0x1  }
0x2: {  	[smem:$0x3F9B] =	sst lr;
	_ =	strace $0xD0000000  }
0x3: {  	_ = 	snop  }
0x4: {  	_ = 	snop  }
0x5: {  	_ = 	snop  }
0x6: {  	_ = 	snop  }
0x7: {  	_ = 	snop  }
__scs_overlays_trampoline_lowered:
0x8: {  	[smem:$0x3FAA] =	sst s0  }
0x9: {  	[smem:$0x3FAB] =	sst s1  }
0xa: {  	[smem:$0x3FAC] =	sst s2  }
0xb: {  	[smem:$0x3FAD] =	sst s3  }
0xc: {  	[smem:$0x3FAE] =	sst s4  }
0xd: {  	[smem:$0x3FAF] =	sst s5  }
0xe: {  	[smem:$0x3FB0] =	sst s6  }
0xf: {  	[smem:$0x3FB1] =	sst s7  }
0x10: {  	[smem:$0x3FB2] =	sst s8  }
0x11: {  	[smem:$0x3FB3] =	sst s9;
	s0 =	simm.s32 @!p0 $0x0  }
0x12: {  	s1 =	sld [smem:$0x3F99];
	s0 =	simm.s32 @p0 $0x1  }
0x13: {  	[smem:$0x3FB4] =	sst s0;
	s0 =	simm.s32 @!p1 $0x0  }
0x14: {  	s2 =	sld [smem:$0x3F98];
	s0 =	simm.s32 @p1 $0x1  }
0x15: {  	[smem:$0x3FB5] =	sst s0;
	s0 =	simm.s32 @!p2 $0x0  }
0x16: {  	s3 =	sld [smem:$0x3FDB];
	s0 =	simm.s32 @p2 $0x1  }
0x17: {  	s4 =	simm.s32 $0x1BF5;
	[smem:$0x3FB7] =	sst s0  }
0x18: {  	s0 =	sld [smem:$0x3F9A];
	_ =	swait.ge [sflag:s4], $0x0  }
0x19: {  	s7 =	sld [smem:$0x3F9B]  }
0x1a: {  	s8 =	sadd.s32 $0xFFFFE003, lr  }
0x1b: {  	s9 =	sadd.s32 $0xFFFFFEF7, lr;
	s5 =	simm.s32 $0xFFFFFFFF;
	p2 =	slt.u32 s8, $0xFFFFF086  }
0x1c: {  	p1 =	slt.u32 s9, $0xF7A;
	s5 =	simm.s32 @!p2 $0x0  }
0x1d: {  	s5 =	simm.s32 @p1 $0x1;
	p0 =	seq.s32 s7, s2  }
0x1e: {  	s7 =	smul.u32 @!p0 $0xF7A, s2;
	p2 =	seq.s32 @!p0 s5, $0x0  }
0x1f: {  	s9 =	smul.u32 $0xF7A, s1;
	s8 =	simm.s32 @!p0 $0x1BF5;
	p2 =	por !p2, p0  }
0x20: {  	[sflag:s8] =	ssyncset.s32 @!p0 $0xFFFFF086;
	s6 =	sadd.s32 @!p0 s3, s7;
	s7 =	simm.s32 @!p0 $0x108  }
0x21: {  	s3 =	sadd.s32 s3, s9;
	s6 =	sadd.s32 @!p0 $0x88, s6;
	s7 =	simm.s32 @p2 $0x1082  }
0x22: {  	[simem:s7], [sflag:s8] =	dma.local @!p0 [hbm:s6], $0xF7A  }
0x23: {  	s9 =	sor.u32 $0xD0000000, s2;
	s6 =	simm.s32 $0x108;
	_ =	swait.ge @!p0 [sflag:s8], $0x0  }
0x24: {  	s3 =	sadd.s32 $0x88, s3;
	s6 =	simm.s32 @!p1 $0x1082;
	[sflag:s4] =	ssyncset.s32 $0xFFFFF086  }
0x25: {  	[simem:s6], [sflag:s4] =	dma.local [hbm:s3], $0xF7A  }
0x26: {  	[smem:$0x3F9B] =	sst s1;
	(tag) =	ssettag s2;
	_ =	strace s9  }
0x27: {  	s1 =	sld [smem:$0x3FAB]  }
0x28: {  	s2 =	sld [smem:$0x3FAC]  }
0x29: {  	s4 =	sld [smem:$0x3FAE]  }
0x2a: {  	p0 =	seq.s32 s5, $0x0;
	s5 =	sld [smem:$0x3FAF]  }
0x2b: {  	s6 =	sld [smem:$0x3FB0]  }
0x2c: {  	s7 =	sld [smem:$0x3FB1]  }
0x2d: {  	s3 =	simm.s32 $0x108;
	s8 =	sld [smem:$0x3FB2]  }
0x2e: {  	s3 =	simm.s32 @!p0 $0x1082;
	s9 =	sld [smem:$0x3FB3]  }
0x2f: {  	lr =	sadd.s32 s0, s3;
	s0 =	sld [smem:$0x3FAA]  }
0x30: {  	s3 =	sld [smem:$0x3FAD]  }
0x31: {  	[smem:$0x3FB6] =	sst s10  }
0x32: {  	s10 =	sld [smem:$0x3FB4];
	_ =	sdelay $0x3  }
0x33: {  	p0 =	seq.s32 s10, $0x1;
	s10 =	sld [smem:$0x3FB6];
	_ =	sdelay $0x3  }
0x34: {  	[smem:$0x3FB6] =	sst s10  }
0x35: {  	s10 =	sld [smem:$0x3FB5];
	_ =	sdelay $0x3  }
0x36: {  	p1 =	seq.s32 s10, $0x1;
	s10 =	sld [smem:$0x3FB6];
	_ =	sdelay $0x3  }
0x37: {  	[smem:$0x3FB6] =	sst s10  }
0x38: {  	s10 =	sld [smem:$0x3FB7]  }
0x39: {  	_ = 	snop;
	(pc) =	sbr.ind lr, $3  }
0x3a: {  	_ = 	snop  }
0x3b: {  	_ = 	snop  }
0x3c: {  	p2 =	seq.s32 s10, $0x1;
	s10 =	sld [smem:$0x3FB6]  }
0x3d: {  	_ =	shalt  }
0x3e: {  	_ =	shalt  }
0x3f: {  	_ =	shalt  }
0x40: {  	_ =	shalt  }
0x41: {  	_ =	shalt  }
0x42: {  	_ =	shalt  }
0x43: {  	_ =	shalt  }
0x44: {  	_ =	shalt  }
0x45: {  	_ =	shalt  }
0x46: {  	_ =	shalt  }
0x47: {  	_ =	shalt  }
0x48: {  	_ =	shalt  }
0x49: {  	_ =	shalt  }
0x4a: {  	_ =	shalt  }
0x4b: {  	_ =	shalt  }
0x4c: {  	_ =	shalt  }
0x4d: {  	_ =	shalt  }
0x4e: {  	_ =	shalt  }
0x4f: {  	_ =	shalt  }
0x50: {  	_ =	shalt  }
0x51: {  	_ =	shalt  }
0x52: {  	_ =	shalt  }
0x53: {  	_ =	shalt  }
0x54: {  	_ =	shalt  }
0x55: {  	_ =	shalt  }
0x56: {  	_ =	shalt  }
0x57: {  	_ =	shalt  }
0x58: {  	_ =	shalt  }
0x59: {  	_ =	shalt  }
0x5a: {  	_ =	shalt  }
0x5b: {  	_ =	shalt  }
0x5c: {  	_ =	shalt  }
0x5d: {  	_ =	shalt  }
0x5e: {  	_ =	shalt  }
0x5f: {  	_ =	shalt  }
0x60: {  	_ =	shalt  }
0x61: {  	_ =	shalt  }
0x62: {  	_ =	shalt  }
0x63: {  	_ =	shalt  }
0x64: {  	_ =	shalt  }
0x65: {  	_ =	shalt  }
0x66: {  	_ =	shalt  }
0x67: {  	_ =	shalt  }
0x68: {  	_ =	shalt  }
0x69: {  	_ =	shalt  }
0x6a: {  	_ =	shalt  }
0x6b: {  	_ =	shalt  }
0x6c: {  	_ =	shalt  }
0x6d: {  	_ =	shalt  }
0x6e: {  	_ =	shalt  }
0x6f: {  	_ =	shalt  }
0x70: {  	_ =	shalt  }
0x71: {  	_ =	shalt  }
0x72: {  	_ =	shalt  }
0x73: {  	_ =	shalt  }
0x74: {  	_ =	shalt  }
0x75: {  	_ =	shalt  }
0x76: {  	_ =	shalt  }
0x77: {  	_ =	shalt  }
0x78: {  	_ =	shalt  }
0x79: {  	_ =	shalt  }
0x7a: {  	_ =	shalt  }
0x7b: {  	_ =	shalt  }
0x7c: {  	_ =	shalt  }
0x7d: {  	_ =	shalt  }
0x7e: {  	_ =	shalt  }
0x7f: {  	_ =	shalt  }
0x80: {  	_ =	shalt  }
0x81: {  	_ =	shalt  }
0x82: {  	_ =	shalt  }
0x83: {  	_ =	shalt  }
0x84: {  	_ =	shalt  }
0x85: {  	_ =	shalt  }
0x86: {  	_ =	shalt  }
0x87: {  	_ =	shalt  }
.Lfunc_end0:
.L_simem_size_0:
called_computation.2_lowered:
.L_overlay_start_0:
0x88: {  	s2 =	sld [smem:$0x3FD9]  }
0x89: {  	s3 =	sld [smem:$0x3FFE];
	_ =	sdelay $0x1  }
0x8a: {  	s1 =	srdreg.scid  }
0x8b: {  	s0 =	sand.u32 $0x1, s1  }
0x8c: {  	s17 =	sshll.u32 s0, $0xA;
	s2 =	sadd.s32 s3, s2  }
0x8d: {  	s2 =	sadd.s32 s2, s17  }
0x8e: {  	[smem:$0x3FC2] =	sst s2  }
0x8f: {  	_ = 	snop  }
0x90: {  	s2 =	sld [smem:$0x3FD0];
	(tm) =	ssettm $0x1  }
0x91: {  	s18 =	sld [smem:$0x3FFB];
	_ =	sdelay $0x3  }
0x92: {  	_ =	strace s18  }
0x93: {  	s3 =	sld [smem:$0x3FFC];
	_ =	sdelay $0x3  }
0x94: {  	_ =	strace s3  }
0x95: {  	s3 =	sld [smem:$0x3FFD];
	_ =	sdelay $0x3  }
0x96: {  	_ =	strace s3  }
0x97: {  	_ =	strace $0x8FFFFFFF  }
0x98: {  	s19 =	sld [smem:$0x3FDB];
	_ =	sdelay $0x1  }
0x99: {  	s4 =	simm.s32 $_scs_section_size  }
0x9a: {  	s5 =	simm.s32 $_size__tile_overlayer_lowered;
	s6 =	simm.s32 $_tile_overlayer_lowered  }
0x9b: {  	s22 =	simm.s32 $0x1BFF;
	s21 =	sshll.u32 s6, $0x1;
	s3 =	sadd.s32 s4, s19  }
0x9c: {  	s7 =	simm.s32 $0x0;
	s20 =	sshll.u32 s5, $0x1;
	s5 =	sadd.s32 s21, s3  }
0x9d: {  	[timem:s7], [sflag:s22] =	dma.local [hbm:s5], s20  }
0x9e: {  	_ =	swait.ge [sflag:s22], s20  }
0x9f: {  	s4 =	ssub.s32 $0x0, s20;
	[sflag:s22] =	ssyncset.done $0x0  }
0xa0: {  	[sflag:s22] =	ssyncadd.s32 s4;
	_ =	sdelay $0x1  }
0xa1: {  	s23 =	simm.s32 $0x1B8B  }
0xa2: {  	_ =	swait.ge [sflag:s23], $0x1  }
0xa3: {  	[sflag:s23] =	ssyncset.done $0x0  }
0xa4: {  	s25 =	simm.s32 $0x1B8E;
	s24 =	sld [smem:$0x3FFE];
	[sflag:s23] =	ssyncadd.s32 $0xFFFFFFFF  }
0xa5: {  	s26 =	simm.s32 $execute0_lowered;
	[smem:$0x3FD2] =	sst s25  }
0xa6: {  	s5 =	sshll.u32 s26, $0x1;
	_ =	strace $0x8000004C;
	[dreg:$0x1] =	wrdreg $0xFFFFFFFF  }
0xa7: {  	s28 =	simm.s32 $_size_execute0_lowered;
	s3 =	sadd.s32 s3, s5;
	[dreg:$0x0] =	wrdreg $0x0  }
0xa8: {  	s5 =	sshll.u32 s28, $0x1;
	[dreg:$0x2] =	wrdreg s3  }
0xa9: {  	[dreg:$0x3] =	wrdreg s5  }
0xaa: {  	[dreg:$0x4] =	wrdreg $0xC0  }
0xab: {  	_ =	task [dreg:s7], $0x5FFFF  }
0xac: {  	[dreg:$0x1] =	wrdreg $0xFFFFFFFF  }
0xad: {  	[dreg:$0x0] =	wrdreg $0x60  }
0xae: {  	[dreg:$0x2] =	wrdreg s2  }
0xaf: {  	[dreg:$0x3] =	wrdreg s24  }
0xb0: {  	[dreg:$0x4] =	wrdreg $0xB7800  }
0xb1: {  	[dreg:$0x5] =	wrdreg $0x9  }
0xb2: {  	_ =	task.clear_ibuf [dreg:s7], $0x6FFFF;
	_ =	strace $0x9000004C  }
0xb3: {  	s29 =	simm.s32 $0x9;
	_ =	strace $0x8000004E  }
0xb4: {  	_ =	swait.ge [sflag:s29], $0x1  }
0xb5: {  	[sflag:s29] =	ssyncadd.s32 $0xFFFFFFFF  }
0xb6: {  	_ =	strace $0x9000004E  }
0xb7: {  	_ =	sfence  }
0xb8: {  	s30 =	sld [smem:$0x0];
	_ =	sdelay $0x2  }
0xb9: {  	s31 =	sshll.u32 s1, $0xD;
	s1 =	sshrl.u32 s1, $0x2  }
0xba: {  	s3 =	sand.u32 $0x4000, s31;
	s1 =	sadd.s32 s1, s30  }
0xbb: {  	s0 =	sor.u32 s3, s0;
	s1 =	sshll.u32 s1, $0x11  }
0xbc: {  	s0 =	sor.u32 s1, s0  }
0xbd: {  	s0 =	sadd.s32 $0x8F2B, s0  }
0xbe: {  	[sflag:s0] =	ssyncadd.remote.s32 $0x1  }
0xbf: {  	_ =	sfence.sel $0xFFFF  }
0xc0: {  	[dreg:$0x0] =	wrdreg $0xFFFFFFFF;
	(pc) =	sbr.abs _section_cstart, $3  }
0xc1: {  	[dreg:$0x1] =	wrdreg $0xFFFFFFFF  }
0xc2: {  	_ =	task.clear_ibuf [dreg:s7], $0x2FFFF;
	_ =	strace $0x9FFFFFFF  }
0xc3: {  	(tm) =	ssettm $0x7FFFFFFF  }
tec
execute0_lowered:
.L_overlay_start_1:
0x0: {  	(tag) =	ssettag $0x1  }
0x1: {  	s0 =	srdreg.scid;
	s2 =	rddreg [dreg:$0x0]  }
0x2: {  	s11 =	stileid.u32;
	s5 =	rddreg [dreg:$0x1]  }
0x3: {  	s3 =	rddreg [dreg:$0x2];
	s4 =	simm.s32 $0x0;
	s14 =	simm.s32 $0x6  }
0x4: {  	s15 =	simm.s32 $0x28;
	s16 =	simm.s32 $0x6780;
	s17 =	simm.s32 $0x7B80  }
0x5: {  	s18 =	simm.s32 $0x50;
	s19 =	simm.s32 $0x8F80;
	s21 =	simm.s32 $0xA380  }
0x6: {  	s22 =	simm.s32 $0x7;
	s23 =	simm.s32 $0x5;
	s24 =	simm.s32 $0x1  }
0x7: {  	s28 =	simm.s32 $0x2;
	s29 =	simm.s32 $0x4;
	s7 =	smul.u32 $0x14000, s11  }
0x8: {  	s0 =	sand.u32 $0x1, s0;
	s1 =	sshll.u32 s11, $0x1;
	s26 =	smul.u32 $0x50000, s11  }
0x9: {  	s13 =	simm.s32 $0x6580;
	s1 =	sor.u32 s0, s1;
	s8 =	smul.u32 $0x140000, s0  }
0xa: {  	s20 =	simm.s32 $0x0;
	[smem:$0x7FF] =	sst s4;
	s6 =	smul.u32 $0x4E2, s1  }
0xb: {  	_ =	strace $0x8000004D;
	s0 =	ssub.s32 $0x2, s0;
	s1 =	smul.u32 $0x7D0, s1  }
0xc: {  	s25 =	sshrl.u32 s7, $0x3;
	s30 =	sshrl.u32 s0, $0x1;
	s31 =	sshrl.u32 s26, $0x2  }
0xd: {  	s26 =	simm.s32 $0x8;
	s7 =	sadd.s32 s7, s8;
	s0 =	ssub.s32 s0, s30  }
0xe: {  	s12 =	sadd.s32 s31, s3;
	s9 =	sadd.s32 s6, s5;
	s1 =	sadd.s32 s1, s5  }
0xf: {  	s7 =	sshrl.u32 s7, $0x3;
	s6 =	sadd.s32 s25, s5;
	s12 =	sshrl.u32 s12, $0x3  }
0x10: {  	s25 =	simm.s32 $0x3;
	s10 =	sadd.s32 s7, s5;
	s5 =	sshll.u32 s11, $0x6  }
0x11: {  	s6 =	sadd.s32 $0x1B800, s6;
	s8 =	sadd.s32 $0x2000, s9;
	s9 =	sadd.s32 $0xBE00, s1  }
0x12: {  	s11 =	smax.u32 s0, $0x1;
	s7 =	sor.u32 $0x1C05, s5;
	s10 =	sadd.s32 $0x43800, s10  }
.LBB2_1:
0x13: {  	[spmem:s12], [sflag:s7] =	dma.local [hbm:s6], $0x2800  }
0x14: {  	[tilespmem:s4], [sflag:$0x6] =	stream.linear.gather [hbm4b:s8+s4], $0x2710, $0x38;
	[tilespmem:$0x1F780] =	vst v63  }
0x15: {  	s0 =	simm.s32 $0x2780  }
0x16: {  	[tilespmem:s0], [sflag:$0x7] =	stream.linear.gather [hbm4b:s9+s4], $0x3E80, $0x38;
	[tilespmem:$0x1F780] =	vst v63  }
0x17: {  	_ =	swait.ge [sflag:s14], $0x2710  }
0x18: {  	[sflag:s14] =	ssyncset.done $0x0  }
0x19: {  	[sflag:s14] =	ssyncadd.s32 $0xFFFFD8F0  }
0x1a: {  	[tilespmem:s16], [sflag:$0x1] =	stream.indirect.gather [hbm4b:s2+s15], $0x80, s4, s15, $0xb8;
	[tilespmem:$0x1F780] =	vst v63  }
0x1b: {  	_ = 	snop  }
0x1c: {  	[tilespmem:s17], [sflag:$0x3] =	stream.indirect.gather [hbm4b:s2+s15], $0x80, s15, s15, $0xb8;
	[tilespmem:$0x1F780] =	vst v63  }
0x1d: {  	_ = 	snop  }
0x1e: {  	[tilespmem:s19], [sflag:$0x2] =	stream.indirect.gather [hbm4b:s2+s15], $0x80, s18, s15, $0xb8;
	[tilespmem:$0x1F780] =	vst v63  }
0x1f: {  	s1 =	simm.s32 $0x78  }
0x20: {  	[tilespmem:s21], [sflag:$0x4] =	stream.indirect.gather [hbm4b:s2+s15], $0x80, s1, s15, $0xb8;
	[tilespmem:$0x1F780] =	vst v63  }
0x21: {  	_ =	swait.ge [sflag:s22], $0x3E80  }
0x22: {  	[sflag:s22] =	ssyncset.done $0x0  }
0x23: {  	[sflag:s22] =	ssyncadd.s32 $0xFFFFC180  }
0x24: {  	_ =	swait.ge [sflag:s23], $0x2800  }
0x25: {  	[sflag:s23] =	ssyncset.done $0x0  }
0x26: {  	[sflag:s23] =	ssyncadd.s32 $0xFFFFD800  }
0x27: {  	[bflag:$0x0] =	sbarrier.arrive $0xFFFF  }
0x28: {  	_ =	swait.ge [sflag:s24], $0x1400  }
0x29: {  	[sflag:s24] =	ssyncset.done $0x0  }
0x2a: {  	[sflag:s24] =	ssyncadd.s32 $0xFFFFEC00  }
0x2b: {  	_ =	swait.ge [sflag:s25], $0x1400  }
0x2c: {  	[sflag:s25] =	ssyncset.done $0x0  }
0x2d: {  	s1 =	simm.s32 $0x2780;
	[sflag:s25] =	ssyncadd.s32 $0xFFFFEC00  }
0x2e: {  	[spmem:s3] =	stream.indirect.scatter.add.f32 [tilespmem:s16], [sflag:$0x8], $0x80, s1, s18, $0xb8;
	[tilespmem:$0x1F780] =	vst v63  }
0x2f: {  	_ =	swait.ge [sflag:s26], $0x2800  }
0x30: {  	[sflag:s26] =	ssyncset.done $0x0  }
0x31: {  	s0 =	simm.s32 $0xA0;
	[sflag:s26] =	ssyncadd.s32 $0xFFFFD800  }
0x32: {  	[tilespmem:s16], [sflag:$0x1] =	stream.indirect.gather [hbm4b:s2+s15], $0x80, s0, s15, $0xb8;
	[tilespmem:$0x1F780] =	vst v63  }
0x33: {  	s0 =	simm.s32 $0xC8  }
0x34: {  	[tilespmem:s17], [sflag:$0x3] =	stream.indirect.gather [hbm4b:s2+s15], $0x80, s0, s15, $0xb8;
	[tilespmem:$0x1F780] =	vst v63  }
0x35: {  	_ =	swait.ge [sflag:s28], $0x1400  }
0x36: {  	[sflag:s28] =	ssyncset.done $0x0  }
0x37: {  	[sflag:s28] =	ssyncadd.s32 $0xFFFFEC00  }
0x38: {  	_ =	swait.ge [sflag:s29], $0x1400  }
0x39: {  	[sflag:s29] =	ssyncset.done $0x0  }
0x3a: {  	s0 =	simm.s32 $0x2800;
	[sflag:s29] =	ssyncadd.s32 $0xFFFFEC00  }
0x3b: {  	[spmem:s3] =	stream.indirect.scatter.add.f32 [tilespmem:s19], [sflag:$0x8], $0x80, s0, s18, $0xb8;
	[tilespmem:$0x1F780] =	vst v63  }
0x3c: {  	_ =	swait.ge [sflag:s26], $0x2800  }
0x3d: {  	s30 =	simm.s32 $0x280;
	s31 =	simm.s32 $0x2900;
	[sflag:s26] =	ssyncset.done $0x0  }
0x3e: {  	s1 =	simm.s32 $0x118;
	s0 =	simm.s32 $0xF0;
	[sflag:s26] =	ssyncadd.s32 $0xFFFFD800  }
0x3f: {  	[tilespmem:s19], [sflag:$0x2] =	stream.indirect.gather [hbm4b:s2+s15], $0x80, s0, s15, $0xb8;
	[tilespmem:$0x1F780] =	vst v63  }
.LBB2_2:
0x40: {  	[tilespmem:s21], [sflag:$0x4] =	stream.indirect.gather [hbm4b:s2+s15], $0x80, s1, s15, $0xb8;
	[tilespmem:$0x1F780] =	vst v63  }
0x41: {  	s1 =	smov.u32 s30  }
0x42: {  	p0 =	sne.s32 s30, $0x9600;
	s30 =	sadd.s32 $0x280, s30;
	_ =	swait.ge [sflag:s24], $0x1400  }
0x43: {  	[sflag:s24] =	ssyncset.done $0x0  }
0x44: {  	[sflag:s24] =	ssyncadd.s32 $0xFFFFEC00  }
0x45: {  	_ =	swait.ge [sflag:s25], $0x1400  }
0x46: {  	[sflag:s25] =	ssyncset.done $0x0  }
0x47: {  	s0 =	sadd.s32 $0xFFFFFF80, s31;
	[sflag:s25] =	ssyncadd.s32 $0xFFFFEC00  }
0x48: {  	[spmem:s3] =	stream.indirect.scatter.add.f32 [tilespmem:s16], [sflag:$0x8], $0x80, s0, s18, $0xb8;
	[tilespmem:$0x1F780] =	vst v63  }
0x49: {  	_ =	swait.ge [sflag:s26], $0x2800  }
0x4a: {  	s0 =	sshra.s32 s1, $0x2;
	[sflag:s26] =	ssyncset.done $0x0  }
0x4b: {  	s1 =	sadd.s32 $0xA0, s0;
	[sflag:s26] =	ssyncadd.s32 $0xFFFFD800  }
0x4c: {  	[tilespmem:s16], [sflag:$0x1] =	stream.indirect.gather [hbm4b:s2+s15], $0x80, s1, s15, $0xb8;
	[tilespmem:$0x1F780] =	vst v63  }
0x4d: {  	s1 =	sadd.s32 $0xC8, s0  }
0x4e: {  	[tilespmem:s17], [sflag:$0x3] =	stream.indirect.gather [hbm4b:s2+s15], $0x80, s1, s15, $0xb8;
	[tilespmem:$0x1F780] =	vst v63  }
0x4f: {  	_ =	swait.ge [sflag:s28], $0x1400  }
0x50: {  	[sflag:s28] =	ssyncset.done $0x0  }
0x51: {  	[sflag:s28] =	ssyncadd.s32 $0xFFFFEC00  }
0x52: {  	_ =	swait.ge [sflag:s29], $0x1400  }
0x53: {  	[sflag:s29] =	ssyncset.done $0x0  }
0x54: {  	[sflag:s29] =	ssyncadd.s32 $0xFFFFEC00  }
0x55: {  	[spmem:s3] =	stream.indirect.scatter.add.f32 [tilespmem:s19], [sflag:$0x8], $0x80, s31, s18, $0xb8;
	[tilespmem:$0x1F780] =	vst v63  }
.Ltmp0:
0x56: {  	_ =	swait.ge [sflag:s26], $0x2800;
	(pc) =	sbr.rel @p0 .LBB2_2-.Ltmp0, $4  }
0x57: {  	[sflag:s26] =	ssyncset.done $0x0  }
0x58: {  	s1 =	sadd.s32 $0xF0, s0;
	[sflag:s26] =	ssyncadd.s32 $0xFFFFD800  }
0x59: {  	[tilespmem:s19], [sflag:$0x2] =	stream.indirect.gather [hbm4b:s2+s15], $0x80, s1, s15, $0xb8;
	[tilespmem:$0x1F780] =	vst v63  }
0x5a: {  	s31 =	sadd.s32 $0x100, s31;
	s1 =	sadd.s32 $0x118, s0  }
0x5b: {  	[tilespmem:s21], [sflag:$0x4] =	stream.indirect.gather [hbm4b:s2+s15], $0x80, s1, s15, $0xb8;
	[tilespmem:$0x1F780] =	vst v63  }
0x5c: {  	_ =	swait.ge [sflag:s24], $0x1400  }
0x5d: {  	[sflag:s24] =	ssyncset.done $0x0  }
0x5e: {  	[sflag:s24] =	ssyncadd.s32 $0xFFFFEC00  }
0x5f: {  	_ =	swait.ge [sflag:s25], $0x1400  }
0x60: {  	[sflag:s25] =	ssyncset.done $0x0  }
0x61: {  	s0 =	simm.s32 $0x6480;
	[sflag:s25] =	ssyncadd.s32 $0xFFFFEC00  }
0x62: {  	[spmem:s3] =	stream.indirect.scatter.add.f32 [tilespmem:s16], [sflag:$0x8], $0x80, s0, s18, $0xb8;
	[tilespmem:$0x1F780] =	vst v63  }
0x63: {  	_ =	swait.ge [sflag:s26], $0x2800  }
0x64: {  	[sflag:s26] =	ssyncset.done $0x0  }
0x65: {  	s31 =	simm.s32 $0x26C0;
	[sflag:s26] =	ssyncadd.s32 $0xFFFFD800  }
0x66: {  	[tilespmem:s16], [sflag:$0x1] =	stream.indirect.gather [hbm4b:s2+s15], $0x80, s31, s15, $0xb8;
	[tilespmem:$0x1F780] =	vst v63  }
0x67: {  	s1 =	simm.s32 $0x26E8  }
0x68: {  	[tilespmem:s17], [sflag:$0x3] =	stream.indirect.gather [hbm4b:s2+s15], $0x80, s1, s15, $0xb8;
	[tilespmem:$0x1F780] =	vst v63  }
0x69: {  	_ =	swait.ge [sflag:s28], $0x1400  }
0x6a: {  	[sflag:s28] =	ssyncset.done $0x0  }
0x6b: {  	[sflag:s28] =	ssyncadd.s32 $0xFFFFEC00  }
0x6c: {  	_ =	swait.ge [sflag:s29], $0x1400  }
0x6d: {  	[sflag:s29] =	ssyncset.done $0x0  }
0x6e: {  	s30 =	simm.s32 $0x6500;
	[sflag:s29] =	ssyncadd.s32 $0xFFFFEC00  }
0x6f: {  	[spmem:s3] =	stream.indirect.scatter.add.f32 [tilespmem:s19], [sflag:$0x8], $0x80, s30, s18, $0xb8;
	[tilespmem:$0x1F780] =	vst v63  }
0x70: {  	_ =	swait.ge [sflag:s26], $0x2800  }
0x71: {  	[sflag:s26] =	ssyncset.done $0x0  }
0x72: {  	[sflag:s26] =	ssyncadd.s32 $0xFFFFD800  }
0x73: {  	_ =	swait.ge [sflag:s24], $0x1400  }
0x74: {  	[sflag:s24] =	ssyncset.done $0x0  }
0x75: {  	[sflag:s24] =	ssyncadd.s32 $0xFFFFEC00  }
0x76: {  	_ =	swait.ge [sflag:s25], $0x1400  }
0x77: {  	[sflag:s25] =	ssyncset.done $0x0  }
0x78: {  	[sflag:s25] =	ssyncadd.s32 $0xFFFFEC00  }
0x79: {  	[spmem:s3] =	stream.indirect.scatter.add.f32 [tilespmem:s16], [sflag:$0x8], $0x80, s13, s18, $0xb8;
	[tilespmem:$0x1F780] =	vst v63  }
0x7a: {  	_ =	swait.ge [sflag:s26], $0x2800  }
0x7b: {  	s20 =	sadd.s32 $0x1, s20;
	[sflag:s26] =	ssyncset.done $0x0  }
0x7c: {  	p0 =	sne.s32 s20, s11;
	[sflag:s26] =	ssyncadd.s32 $0xFFFFD800  }
.Ltmp1:
0x7d: {  	s31 =	sor.u32 $0x1C08, s5;
	[bflag:$0x0] =	sbarrier.arrive $0xFFFF;
	(pc) =	sbr.rel @p0 .LBB2_1-.Ltmp1, $4  }
0x7e: {  	[hbm:s10], [sflag:s31] =	dma.local [spmem:s12], $0x2800  }
0x7f: {  	_ =	swait.ge [sflag:s26], $0x2800  }
0x80: {  	[sflag:s26] =	ssyncset.done $0x0  }
0x81: {  	[sflag:s26] =	ssyncadd.s32 $0xFFFFD800  }
0x82: {  	_ =	sfence.sel $0x180000  }
0x83: {  	[bflag:$0x0] =	sbarrier.arrive $0xFFFF  }
0x84: {  	_ =	strace $0x9000004D  }
0x85: {  	s0 =	stileid.u32;
	[bflag:$0x2] =	sbarrier.arrive $0xFFFF  }
0x86: {  	p0 =	sne.s32 s0, $0x0;
	s0 =	rddreg [dreg:$0x3]  }
0x87: {  	s0 =	sadd.s32 @!p0 $0x100000, s0  }
0x88: {  	[sflag:s0] =	ssyncadd.tile.s32 @!p0 $0x1;
	_ =	shalt  }
.Lfunc_end2:
_tile_overlayer_lowered:
.L_overlay_start_2:
0x89: {  	(tag) =	ssettag $0x2  }
0x8a: {  	s0 =	rddreg [dreg:$0x0];
	s2 =	stileid.u32  }
0x8b: {  	s1 =	rddreg [dreg:$0x1];
	p0 =	sne.s32 s2, $0x0  }
0x8c: {  	s3 =	rddreg [dreg:$0x2];
	[bflag:$0x3] =	sbarrier.arrive $0xFFFF;
	s2 =	simm.s32 @!p0 $0x1C08  }
0x8d: {  	[timem:s3], [sflag:s2] =	dma.local @!p0 [hbm:s0], s1  }
0x8e: {  	s0 =	simm.s32 @!p0 $0x8  }
0x8f: {  	_ =	swait.ge @!p0 [sflag:s0], s1  }
0x90: {  	s1 =	ssub.s32 @!p0 $0x0, s1;
	[sflag:s0] =	ssyncset.done @!p0 $0x0  }
0x91: {  	[sflag:s0] =	ssyncadd.s32 @!p0 s1  }
0x92: {  	[bflag:$0x3] =	sbarrier.arrive $0xFFFF  }
0x93: {  	_ =	shalt  }

// kernel: kernel.8.cloned.1.call-start
scs
__scs_entry_jumppad:
0x0: {  	(pc) =	sbr.rel $0x88, $3  }
0x1: {  	(tag) =	ssettag $0x0;
	lr =	simm.s32 $0x1  }
0x2: {  	[smem:$0x3F9B] =	sst lr;
	_ =	strace $0xD0000000  }
0x3: {  	_ = 	snop  }
0x4: {  	_ = 	snop  }
0x5: {  	_ = 	snop  }
0x6: {  	_ = 	snop  }
0x7: {  	_ = 	snop  }
__scs_overlays_trampoline_lowered:
0x8: {  	[smem:$0x3FAA] =	sst s0  }
0x9: {  	[smem:$0x3FAB] =	sst s1  }
0xa: {  	[smem:$0x3FAC] =	sst s2  }
0xb: {  	[smem:$0x3FAD] =	sst s3  }
0xc: {  	[smem:$0x3FAE] =	sst s4  }
0xd: {  	[smem:$0x3FAF] =	sst s5  }
0xe: {  	[smem:$0x3FB0] =	sst s6  }
0xf: {  	[smem:$0x3FB1] =	sst s7  }
0x10: {  	[smem:$0x3FB2] =	sst s8  }
0x11: {  	[smem:$0x3FB3] =	sst s9;
	s0 =	simm.s32 @!p0 $0x0  }
0x12: {  	s1 =	sld [smem:$0x3F99];
	s0 =	simm.s32 @p0 $0x1  }
0x13: {  	[smem:$0x3FB4] =	sst s0;
	s0 =	simm.s32 @!p1 $0x0  }
0x14: {  	s2 =	sld [smem:$0x3F98];
	s0 =	simm.s32 @p1 $0x1  }
0x15: {  	[smem:$0x3FB5] =	sst s0;
	s0 =	simm.s32 @!p2 $0x0  }
0x16: {  	s3 =	sld [smem:$0x3FDB];
	s0 =	simm.s32 @p2 $0x1  }
0x17: {  	s4 =	simm.s32 $0x1BF5;
	[smem:$0x3FB7] =	sst s0  }
0x18: {  	s0 =	sld [smem:$0x3F9A];
	_ =	swait.ge [sflag:s4], $0x0  }
0x19: {  	s7 =	sld [smem:$0x3F9B]  }
0x1a: {  	s8 =	sadd.s32 $0xFFFFE003, lr  }
0x1b: {  	s9 =	sadd.s32 $0xFFFFFEF7, lr;
	s5 =	simm.s32 $0xFFFFFFFF;
	p2 =	slt.u32 s8, $0xFFFFF086  }
0x1c: {  	p1 =	slt.u32 s9, $0xF7A;
	s5 =	simm.s32 @!p2 $0x0  }
0x1d: {  	s5 =	simm.s32 @p1 $0x1;
	p0 =	seq.s32 s7, s2  }
0x1e: {  	s7 =	smul.u32 @!p0 $0xF7A, s2;
	p2 =	seq.s32 @!p0 s5, $0x0  }
0x1f: {  	s9 =	smul.u32 $0xF7A, s1;
	s8 =	simm.s32 @!p0 $0x1BF5;
	p2 =	por !p2, p0  }
0x20: {  	[sflag:s8] =	ssyncset.s32 @!p0 $0xFFFFF086;
	s6 =	sadd.s32 @!p0 s3, s7;
	s7 =	simm.s32 @!p0 $0x108  }
0x21: {  	s3 =	sadd.s32 s3, s9;
	s6 =	sadd.s32 @!p0 $0x88, s6;
	s7 =	simm.s32 @p2 $0x1082  }
0x22: {  	[simem:s7], [sflag:s8] =	dma.local @!p0 [hbm:s6], $0xF7A  }
0x23: {  	s9 =	sor.u32 $0xD0000000, s2;
	s6 =	simm.s32 $0x108;
	_ =	swait.ge @!p0 [sflag:s8], $0x0  }
0x24: {  	s3 =	sadd.s32 $0x88, s3;
	s6 =	simm.s32 @!p1 $0x1082;
	[sflag:s4] =	ssyncset.s32 $0xFFFFF086  }
0x25: {  	[simem:s6], [sflag:s4] =	dma.local [hbm:s3], $0xF7A  }
0x26: {  	[smem:$0x3F9B] =	sst s1;
	(tag) =	ssettag s2;
	_ =	strace s9  }
0x27: {  	s1 =	sld [smem:$0x3FAB]  }
0x28: {  	s2 =	sld [smem:$0x3FAC]  }
0x29: {  	s4 =	sld [smem:$0x3FAE]  }
0x2a: {  	p0 =	seq.s32 s5, $0x0;
	s5 =	sld [smem:$0x3FAF]  }
0x2b: {  	s6 =	sld [smem:$0x3FB0]  }
0x2c: {  	s7 =	sld [smem:$0x3FB1]  }
0x2d: {  	s3 =	simm.s32 $0x108;
	s8 =	sld [smem:$0x3FB2]  }
0x2e: {  	s3 =	simm.s32 @!p0 $0x1082;
	s9 =	sld [smem:$0x3FB3]  }
0x2f: {  	lr =	sadd.s32 s0, s3;
	s0 =	sld [smem:$0x3FAA]  }
0x30: {  	s3 =	sld [smem:$0x3FAD]  }
0x31: {  	[smem:$0x3FB6] =	sst s10  }
0x32: {  	s10 =	sld [smem:$0x3FB4];
	_ =	sdelay $0x3  }
0x33: {  	p0 =	seq.s32 s10, $0x1;
	s10 =	sld [smem:$0x3FB6];
	_ =	sdelay $0x3  }
0x34: {  	[smem:$0x3FB6] =	sst s10  }
0x35: {  	s10 =	sld [smem:$0x3FB5];
	_ =	sdelay $0x3  }
0x36: {  	p1 =	seq.s32 s10, $0x1;
	s10 =	sld [smem:$0x3FB6];
	_ =	sdelay $0x3  }
0x37: {  	[smem:$0x3FB6] =	sst s10  }
0x38: {  	s10 =	sld [smem:$0x3FB7]  }
0x39: {  	_ = 	snop;
	(pc) =	sbr.ind lr, $3  }
0x3a: {  	_ = 	snop  }
0x3b: {  	_ = 	snop  }
0x3c: {  	p2 =	seq.s32 s10, $0x1;
	s10 =	sld [smem:$0x3FB6]  }
0x3d: {  	_ =	shalt  }
0x3e: {  	_ =	shalt  }
0x3f: {  	_ =	shalt  }
0x40: {  	_ =	shalt  }
0x41: {  	_ =	shalt  }
0x42: {  	_ =	shalt  }
0x43: {  	_ =	shalt  }
0x44: {  	_ =	shalt  }
0x45: {  	_ =	shalt  }
0x46: {  	_ =	shalt  }
0x47: {  	_ =	shalt  }
0x48: {  	_ =	shalt  }
0x49: {  	_ =	shalt  }
0x4a: {  	_ =	shalt  }
0x4b: {  	_ =	shalt  }
0x4c: {  	_ =	shalt  }
0x4d: {  	_ =	shalt  }
0x4e: {  	_ =	shalt  }
0x4f: {  	_ =	shalt  }
0x50: {  	_ =	shalt  }
0x51: {  	_ =	shalt  }
0x52: {  	_ =	shalt  }
0x53: {  	_ =	shalt  }
0x54: {  	_ =	shalt  }
0x55: {  	_ =	shalt  }
0x56: {  	_ =	shalt  }
0x57: {  	_ =	shalt  }
0x58: {  	_ =	shalt  }
0x59: {  	_ =	shalt  }
0x5a: {  	_ =	shalt  }
0x5b: {  	_ =	shalt  }
0x5c: {  	_ =	shalt  }
0x5d: {  	_ =	shalt  }
0x5e: {  	_ =	shalt  }
0x5f: {  	_ =	shalt  }
0x60: {  	_ =	shalt  }
0x61: {  	_ =	shalt  }
0x62: {  	_ =	shalt  }
0x63: {  	_ =	shalt  }
0x64: {  	_ =	shalt  }
0x65: {  	_ =	shalt  }
0x66: {  	_ =	shalt  }
0x67: {  	_ =	shalt  }
0x68: {  	_ =	shalt  }
0x69: {  	_ =	shalt  }
0x6a: {  	_ =	shalt  }
0x6b: {  	_ =	shalt  }
0x6c: {  	_ =	shalt  }
0x6d: {  	_ =	shalt  }
0x6e: {  	_ =	shalt  }
0x6f: {  	_ =	shalt  }
0x70: {  	_ =	shalt  }
0x71: {  	_ =	shalt  }
0x72: {  	_ =	shalt  }
0x73: {  	_ =	shalt  }
0x74: {  	_ =	shalt  }
0x75: {  	_ =	shalt  }
0x76: {  	_ =	shalt  }
0x77: {  	_ =	shalt  }
0x78: {  	_ =	shalt  }
0x79: {  	_ =	shalt  }
0x7a: {  	_ =	shalt  }
0x7b: {  	_ =	shalt  }
0x7c: {  	_ =	shalt  }
0x7d: {  	_ =	shalt  }
0x7e: {  	_ =	shalt  }
0x7f: {  	_ =	shalt  }
0x80: {  	_ =	shalt  }
0x81: {  	_ =	shalt  }
0x82: {  	_ =	shalt  }
0x83: {  	_ =	shalt  }
0x84: {  	_ =	shalt  }
0x85: {  	_ =	shalt  }
0x86: {  	_ =	shalt  }
0x87: {  	_ =	shalt  }
.Lfunc_end0:
.L_simem_size_0:
called_computation_lowered:
.L_overlay_start_0:
0x88: {  	s2 =	sld [smem:$0x3FD9]  }
0x89: {  	s3 =	sld [smem:$0x3FFE];
	_ =	sdelay $0x1  }
0x8a: {  	s1 =	srdreg.scid  }
0x8b: {  	s0 =	sand.u32 $0x1, s1  }
0x8c: {  	s17 =	sshll.u32 s0, $0xA;
	s2 =	sadd.s32 s3, s2  }
0x8d: {  	s2 =	sadd.s32 s2, s17  }
0x8e: {  	[smem:$0x3FC2] =	sst s2  }
0x8f: {  	_ = 	snop  }
0x90: {  	s2 =	sld [smem:$0x3FD0];
	(tm) =	ssettm $0x1  }
0x91: {  	s18 =	sld [smem:$0x3FFB];
	_ =	sdelay $0x3  }
0x92: {  	_ =	strace s18  }
0x93: {  	s3 =	sld [smem:$0x3FFC];
	_ =	sdelay $0x3  }
0x94: {  	_ =	strace s3  }
0x95: {  	s3 =	sld [smem:$0x3FFD];
	_ =	sdelay $0x3  }
0x96: {  	_ =	strace s3  }
0x97: {  	_ =	strace $0x8FFFFFFF  }
0x98: {  	s19 =	sld [smem:$0x3FDB];
	_ =	sdelay $0x1  }
0x99: {  	s4 =	simm.s32 $_scs_section_size  }
0x9a: {  	s5 =	simm.s32 $_size__tile_overlayer_lowered;
	s6 =	simm.s32 $_tile_overlayer_lowered  }
0x9b: {  	s22 =	simm.s32 $0x1BFF;
	s21 =	sshll.u32 s6, $0x1;
	s3 =	sadd.s32 s4, s19  }
0x9c: {  	s7 =	simm.s32 $0x0;
	s20 =	sshll.u32 s5, $0x1;
	s5 =	sadd.s32 s21, s3  }
0x9d: {  	[timem:s7], [sflag:s22] =	dma.local [hbm:s5], s20  }
0x9e: {  	_ =	swait.ge [sflag:s22], s20  }
0x9f: {  	s4 =	ssub.s32 $0x0, s20;
	[sflag:s22] =	ssyncset.done $0x0  }
0xa0: {  	[sflag:s22] =	ssyncadd.s32 s4;
	_ =	sdelay $0x1  }
0xa1: {  	s23 =	simm.s32 $0x1B8B  }
0xa2: {  	_ =	swait.ge [sflag:s23], $0x1  }
0xa3: {  	[sflag:s23] =	ssyncset.done $0x0  }
0xa4: {  	s25 =	simm.s32 $0x1B8E;
	s24 =	sld [smem:$0x3FFE];
	[sflag:s23] =	ssyncadd.s32 $0xFFFFFFFF  }
0xa5: {  	s26 =	simm.s32 $execute0_lowered;
	[smem:$0x3FD2] =	sst s25  }
0xa6: {  	s5 =	sshll.u32 s26, $0x1;
	_ =	strace $0x80000046;
	[dreg:$0x1] =	wrdreg $0xFFFFFFFF  }
0xa7: {  	s28 =	simm.s32 $_size_execute0_lowered;
	s3 =	sadd.s32 s3, s5;
	[dreg:$0x0] =	wrdreg $0x0  }
0xa8: {  	s5 =	sshll.u32 s28, $0x1;
	[dreg:$0x2] =	wrdreg s3  }
0xa9: {  	[dreg:$0x3] =	wrdreg s5  }
0xaa: {  	[dreg:$0x4] =	wrdreg $0xC0  }
0xab: {  	_ =	task [dreg:s7], $0x5FFFF  }
0xac: {  	[dreg:$0x1] =	wrdreg $0xFFFFFFFF  }
0xad: {  	[dreg:$0x0] =	wrdreg $0x60  }
0xae: {  	[dreg:$0x2] =	wrdreg s2  }
0xaf: {  	[dreg:$0x3] =	wrdreg s24  }
0xb0: {  	[dreg:$0x4] =	wrdreg $0x80800  }
0xb1: {  	[dreg:$0x5] =	wrdreg $0x82F80  }
0xb2: {  	[dreg:$0x6] =	wrdreg $0x9  }
0xb3: {  	_ =	task.clear_ibuf [dreg:s7], $0x7FFFF;
	_ =	strace $0x90000046  }
0xb4: {  	s29 =	simm.s32 $0x9;
	_ =	strace $0x80000048  }
0xb5: {  	_ =	swait.ge [sflag:s29], $0x1  }
0xb6: {  	[sflag:s29] =	ssyncadd.s32 $0xFFFFFFFF  }
0xb7: {  	_ =	strace $0x90000048  }
0xb8: {  	_ =	sfence  }
0xb9: {  	s30 =	sld [smem:$0x0];
	_ =	sdelay $0x2  }
0xba: {  	s31 =	sshll.u32 s1, $0xD;
	s1 =	sshrl.u32 s1, $0x2  }
0xbb: {  	s3 =	sand.u32 $0x4000, s31;
	s1 =	sadd.s32 s1, s30  }
0xbc: {  	s0 =	sor.u32 s3, s0;
	s1 =	sshll.u32 s1, $0x11  }
0xbd: {  	s0 =	sor.u32 s1, s0  }
0xbe: {  	s0 =	sadd.s32 $0x8F2B, s0  }
0xbf: {  	[sflag:s0] =	ssyncadd.remote.s32 $0x1  }
0xc0: {  	_ =	sfence.sel $0xFFFF  }
0xc1: {  	[dreg:$0x0] =	wrdreg $0xFFFFFFFF;
	(pc) =	sbr.abs _section_cstart, $3  }
0xc2: {  	[dreg:$0x1] =	wrdreg $0xFFFFFFFF  }
0xc3: {  	_ =	task.clear_ibuf [dreg:s7], $0x2FFFF;
	_ =	strace $0x9FFFFFFF  }
0xc4: {  	(tm) =	ssettm $0x7FFFFFFF  }
0xc5: {  	_ =	shalt  }
tec
execute0_lowered:
.L_overlay_start_1:
0x0: {  	(tag) =	ssettag $0x1  }
0x1: {  	s6 =	rddreg [dreg:$0x0]  }
0x2: {  	s7 =	rddreg [dreg:$0x1]  }
0x3: {  	s0 =	rddreg [dreg:$0x2]  }
0x4: {  	s1 =	srdreg.scid;
	s2 =	stileid.u32  }
0x5: {  	s3 =	rddreg [dreg:$0x3];
	s4 =	simm.s32 $0x0;
	p2 =	por $0x0, $0x0  }
0x6: {  	s15 =	simm.s32 $0x1;
	s16 =	simm.s32 $0x2;
	s17 =	simm.s32 $0x50  }
0x7: {  	s18 =	simm.s32 $0x100;
	s19 =	simm.s32 $0x4100;
	s20 =	simm.s32 $0x180  }
0x8: {  	s21 =	simm.s32 $0x4180;
	s22 =	simm.s32 $0x200;
	s23 =	simm.s32 $0x4200  }
0x9: {  	s25 =	simm.s32 $0x0;
	s8 =	sand.u32 $0x1, s1;
	s1 =	rddreg [dreg:$0x4]  }
0xa: {  	s5 =	sshll.u32 s2, $0x1;
	[smem:$0x7FF] =	sst s4;
	s13 =	sadd.s32 $0x1BE00, s7  }
0xb: {  	p0 =	seq.s32 s2, $0x1;
	s5 =	sor.u32 s8, s5;
	s12 =	smul.u32 $0x4F00, s8  }
0xc: {  	_ =	strace $0x80000047;
	s11 =	ssub.s32 $0x2, s8;
	s8 =	smul.u32 $0x9E0, s8  }
0xd: {  	p1 =	sne.s32 @!p0 s2, $0x0;
	s9 =	smul.u32 $0x7D0, s5;
	s5 =	sadd.s32 $0x1B800, s7  }
0xe: {  	s30 =	sshrl.u32 s11, $0x1;
	p3 =	por p1, p0;
	p4 =	por !p1, p0  }
0xf: {  	p1 =	sne.s32 s2, $0x0;
	s11 =	ssub.s32 s11, s30;
	s12 =	sshrl.u32 s12, $0x3  }
0x10: {  	s8 =	sadd.s32 s13, s8;
	s14 =	sshrl.u32 @!p3 s0, $0x3;
	s24 =	sshrl.u32 @!p1 s0, $0x3  }
0x11: {  	s10 =	sadd.s32 s9, s7;
	s6 =	sadd.s32 s6, s9;
	s31 =	sadd.s32 s13, s12  }
0x12: {  	s12 =	simm.s32 $0x4080;
	s13 =	sshrl.u32 @p0 s3, $0x3;
	s7 =	sadd.s32 $0xBE00, s10  }
0x13: {  	v0 =	vimm.f32 $1.000000000e+00;
	s9 =	sadd.s32 $0x4F0, s31;
	s10 =	smax.u32 s11, $0x1;
	s11 =	simm.s32 $0x80  }
.LBB2_1:
0x14: {  	[tilespmem:s11], [sflag:$0x1] =	stream.linear.gather [hbm4b:s6+s4], $0x3E80, $0x38;
	[tilespmem:$0x8570] =	vst v63  }
0x15: {  	s26 =	simm.s32 @p0 $0x1C43  }
0x16: {  	[tilespmem:s12], [sflag:$0x2] =	stream.linear.gather [hbm4b:s7+s4], $0x3E80, $0x38;
	[tilespmem:$0x8570] =	vst v63  }
0x17: {  	[spmem:s13], [sflag:s26] =	dma.local @p0 [hbm:s5], $0x4F0  }
0x18: {  	s26 =	simm.s32 @!p3 $0x1C03  }
0x19: {  	[spmem:s14], [sflag:s26] =	dma.local @!p3 [hbm:s5], $0x4F0;
	[tilespmem:$0x0] =	vst v0  }
0x1a: {  	[tilespmem:$0x10] =	vst v0  }
0x1b: {  	[tilespmem:$0x20] =	vst v0  }
0x1c: {  	[tilespmem:$0x30] =	vst v0  }
0x1d: {  	[tilespmem:$0x40] =	vst v0  }
0x1e: {  	_ =	swait.ge [sflag:s15], $0x3E80  }
0x1f: {  	[sflag:s15] =	ssyncset.done $0x0  }
0x20: {  	[sflag:s15] =	ssyncadd.s32 $0xFFFFC180  }
0x21: {  	_ =	swait.ge [sflag:s16], $0x3E80  }
0x22: {  	[sflag:s16] =	ssyncset.done $0x0  }
0x23: {  	p6 =	por @!p3 $0x0, $0x0;
	s26 =	simm.s32 @!p1 $0x3;
	[sflag:s16] =	ssyncadd.s32 $0xFFFFC180  }
0x24: {  	p5 =	por @p0 $0x1, $0x1;
	p6 =	por @!p4 p2, p2;
	_ =	swait.ge @!p1 [sflag:s26], $0x4F0  }
0x25: {  	p5 =	por @!p0 p6, p6;
	[sflag:s26] =	ssyncset.done @!p1 $0x0  }
0x26: {  	[sflag:s26] =	ssyncadd.s32 @!p1 $0xFFFFFB10;
	s26 =	simm.s32 @p5 $0x3  }
0x27: {  	_ =	swait.ge @p5 [sflag:s26], $0x4F0  }
0x28: {  	[sflag:s26] =	ssyncset.done @p5 $0x0  }
0x29: {  	[sflag:s26] =	ssyncadd.s32 @p5 $0xFFFFFB10  }
0x2a: {  	[bflag:$0x0] =	sbarrier.arrive $0xFFFF  }
0x2b: {  	[spmem:s0] =	stream.indirect.scatter.add.f32 [tilespmem:s4], [sflag:$0x1], $0x1, s11, s17, $0xb8;
	[tilespmem:$0x8570] =	vst v63  }
0x2c: {  	_ = 	snop  }
0x2d: {  	[spmem:s3] =	stream.indirect.scatter.add.f32 [tilespmem:s4], [sflag:$0x2], $0x1, s12, s17, $0xb8;
	[tilespmem:$0x8570] =	vst v63  }
0x2e: {  	_ = 	snop  }
0x2f: {  	[spmem:s0] =	stream.indirect.scatter.add.f32 [tilespmem:s4], [sflag:$0x1], $0x1, s18, s17, $0xb8;
	[tilespmem:$0x8570] =	vst v63  }
0x30: {  	_ = 	snop  }
0x31: {  	[spmem:s3] =	stream.indirect.scatter.add.f32 [tilespmem:s4], [sflag:$0x2], $0x1, s19, s17, $0xb8;
	[tilespmem:$0x8570] =	vst v63  }
0x32: {  	_ = 	snop  }
0x33: {  	[spmem:s0] =	stream.indirect.scatter.add.f32 [tilespmem:s4], [sflag:$0x1], $0x1, s20, s17, $0xb8;
	[tilespmem:$0x8570] =	vst v63  }
0x34: {  	_ = 	snop  }
0x35: {  	[spmem:s3] =	stream.indirect.scatter.add.f32 [tilespmem:s4], [sflag:$0x2], $0x1, s21, s17, $0xb8;
	[tilespmem:$0x8570] =	vst v63  }
0x36: {  	_ = 	snop  }
0x37: {  	[spmem:s0] =	stream.indirect.scatter.add.f32 [tilespmem:s4], [sflag:$0x1], $0x1, s22, s17, $0xb8;
	[tilespmem:$0x8570] =	vst v63  }
0x38: {  	_ = 	snop  }
0x39: {  	[spmem:s3] =	stream.indirect.scatter.add.f32 [tilespmem:s4], [sflag:$0x2], $0x1, s23, s17, $0xb8;
	[tilespmem:$0x8570] =	vst v63  }
0x3a: {  	_ =	swait.ge [sflag:s15], $0x50  }
0x3b: {  	[sflag:s15] =	ssyncset.done $0x0  }
0x3c: {  	[sflag:s15] =	ssyncadd.s32 $0xFFFFFFB0  }
0x3d: {  	_ =	swait.ge [sflag:s16], $0x50  }
0x3e: {  	s31 =	simm.s32 $0x280;
	[sflag:s16] =	ssyncset.done $0x0  }
0x3f: {  	s28 =	simm.s32 $0x4280;
	s26 =	simm.s32 $0xA00;
	[sflag:s16] =	ssyncadd.s32 $0xFFFFFFB0  }
0x40: {  	[spmem:s0] =	stream.indirect.scatter.add.f32 [tilespmem:s4], [sflag:$0x1], $0x1, s31, s17, $0xb8;
	[tilespmem:$0x8570] =	vst v63  }
.LBB2_2:
0x41: {  	[spmem:s3] =	stream.indirect.scatter.add.f32 [tilespmem:s4], [sflag:$0x2], $0x1, s28, s17, $0xb8;
	[tilespmem:$0x8570] =	vst v63  }
0x42: {  	s28 =	smov.u32 s26  }
0x43: {  	p6 =	sne.s32 s26, $0xF800;
	s26 =	sadd.s32 $0x200, s26;
	_ =	swait.ge [sflag:s15], $0x50  }
0x44: {  	[sflag:s15] =	ssyncset.done $0x0  }
0x45: {  	[sflag:s15] =	ssyncadd.s32 $0xFFFFFFB0  }
.Ltmp0:
0x46: {  	_ =	swait.ge [sflag:s16], $0x50;
	(pc) =	sbr.rel @p6 .LBB2_2-.Ltmp0, $4  }
0x47: {  	s28 =	sshra.s32 s28, $0x2;
	[sflag:s16] =	ssyncset.done $0x0  }
0x48: {  	s29 =	sadd.s32 $0x80, s28;
	[sflag:s16] =	ssyncadd.s32 $0xFFFFFFB0  }
0x49: {  	[spmem:s0] =	stream.indirect.scatter.add.f32 [tilespmem:s4], [sflag:$0x1], $0x1, s29, s17, $0xb8;
	[tilespmem:$0x8570] =	vst v63  }
0x4a: {  	s28 =	sadd.s32 $0x4080, s28  }
0x4b: {  	[spmem:s3] =	stream.indirect.scatter.add.f32 [tilespmem:s4], [sflag:$0x2], $0x1, s28, s17, $0xb8;
	[tilespmem:$0x8570] =	vst v63  }
0x4c: {  	_ =	swait.ge [sflag:s15], $0x50  }
0x4d: {  	[sflag:s15] =	ssyncset.done $0x0  }
0x4e: {  	[sflag:s15] =	ssyncadd.s32 $0xFFFFFFB0  }
0x4f: {  	_ =	swait.ge [sflag:s16], $0x50  }
0x50: {  	[sflag:s16] =	ssyncset.done $0x0  }
0x51: {  	[sflag:s16] =	ssyncadd.s32 $0xFFFFFFB0  }
0x52: {  	_ =	swait.ge [sflag:s15], $0x50  }
0x53: {  	[sflag:s15] =	ssyncset.done $0x0  }
0x54: {  	[sflag:s15] =	ssyncadd.s32 $0xFFFFFFB0  }
0x55: {  	_ =	swait.ge [sflag:s16], $0x50  }
0x56: {  	[sflag:s16] =	ssyncset.done $0x0  }
0x57: {  	[sflag:s16] =	ssyncadd.s32 $0xFFFFFFB0  }
0x58: {  	_ =	swait.ge [sflag:s15], $0x50  }
0x59: {  	[sflag:s15] =	ssyncset.done $0x0  }
0x5a: {  	[sflag:s15] =	ssyncadd.s32 $0xFFFFFFB0  }
0x5b: {  	_ =	swait.ge [sflag:s16], $0x50  }
0x5c: {  	[sflag:s16] =	ssyncset.done $0x0  }
0x5d: {  	[sflag:s16] =	ssyncadd.s32 $0xFFFFFFB0  }
0x5e: {  	_ =	swait.ge [sflag:s15], $0x50  }
0x5f: {  	[sflag:s15] =	ssyncset.done $0x0  }
0x60: {  	[sflag:s15] =	ssyncadd.s32 $0xFFFFFFB0  }
0x61: {  	_ =	swait.ge [sflag:s16], $0x50  }
0x62: {  	[sflag:s16] =	ssyncset.done $0x0  }
0x63: {  	[sflag:s16] =	ssyncadd.s32 $0xFFFFFFB0  }
0x64: {  	s26 =	simm.s32 @!p1 $0x1C04;
	[bflag:$0x0] =	sbarrier.arrive $0xFFFF  }
0x65: {  	[hbm:s8], [sflag:s26] =	dma.local @!p1 [spmem:s24], $0x4F0  }
0x66: {  	s26 =	simm.s32 @!p1 $0x4  }
0x67: {  	s25 =	sadd.s32 $0x1, s25;
	_ =	swait.ge @!p1 [sflag:s26], $0x4F0  }
0x68: {  	s28 =	sshll.u32 @p5 s2, $0x6;
	p6 =	sne.s32 s25, s10;
	[sflag:s26] =	ssyncset.done @!p1 $0x0  }
0x69: {  	[sflag:s26] =	ssyncadd.s32 @!p1 $0xFFFFFB10;
	s26 =	sor.u32 @p5 $0x1C04, s28;
	s28 =	sshrl.u32 @p5 s3, $0x3  }
0x6a: {  	[hbm:s9], [sflag:s26] =	dma.local @p5 [spmem:s28], $0x4F0  }
.Ltmp1:
0x6b: {  	_ = 	snop;
	(pc) =	sbr.rel @p6 .LBB2_1-.Ltmp1, $4  }
0x6c: {  	s26 =	simm.s32 @p5 $0x4  }
0x6d: {  	_ =	swait.ge @p5 [sflag:s26], $0x4F0  }
0x6e: {  	[sflag:s26] =	ssyncset.done @p5 $0x0  }
0x6f: {  	[sflag:s26] =	ssyncadd.s32 @p5 $0xFFFFFB10  }
0x70: {  	_ =	sfence.sel $0x180000  }
0x71: {  	[bflag:$0x0] =	sbarrier.arrive $0xFFFF  }
0x72: {  	_ =	strace $0x90000047  }
0x73: {  	s0 =	sadd.s32 @!p1 $0x100000, s1;
	[bflag:$0x2] =	sbarrier.arrive $0xFFFF  }
0x74: {  	[sflag:s0] =	ssyncadd.tile.s32 @!p1 $0x1;
	_ =	shalt  }
.Lfunc_end2:
_tile_overlayer_lowered:
.L_overlay_start_2:
0x75: {  	(tag) =	ssettag $0x2  }
0x76: {  	s0 =	rddreg [dreg:$0x0];
	s2 =	stileid.u32  }
0x77: {  	s1 =	rddreg [dreg:$0x1];
	p0 =	sne.s32 s2, $0x0  }
0x78: {  	s3 =	rddreg [dreg:$0x2];
	[bflag:$0x3] =	sbarrier.arrive $0xFFFF;
	s2 =	simm.s32 @!p0 $0x1C04  }
0x79: {  	[timem:s3], [sflag:s2] =	dma.local @!p0 [hbm:s0], s1  }
0x7a: {  	s0 =	simm.s32 @!p0 $0x4  }
0x7b: {  	_ =	swait.ge @!p0 [sflag:s0], s1  }
0x7c: {  	s1 =	ssub.s32 @!p0 $0x0, s1;
	[sflag:s0] =	ssyncset.done @!p0 $0x0  }
0x7d: {  	[sflag:s0] =	ssyncadd.s32 @!p0 s1  }
0x7e: {  	[bflag:$0x3] =	sbarrier.arrive $0xFFFF  }
0x7f: {  	_ =	shalt  }

</sc_bundles>
